<compile_context>
chip_gen: v7x
topology: tpu7x:2x2x1
jax: 0.10.2.dev20260603
libtpu: 0.0.44.dev20260713+nightly
codegen_flags: <defaults>
</compile_context>

<pallas_src>
import functools

import jax
import jax.numpy as jnp
from jax import lax
from jax.experimental import pallas as pl
from jax.experimental.pallas import tpu as pltpu
from jax.experimental.pallas import tpu_sc as plsc

N_FACTORS = 32
BATCH = 16384
NC = 2
NS = 16
L = 16
NW = NC * NS
BPW = BATCH // NW
CH = 128
NCH = BPW // CH


def _body(users_hbm, items_hbm, emb_hbm, bias_hbm, out_hbm,
          uidx_v, iidx_v, ue_v, ie_v, ub_v, ib_v, out_v, sem):
    wid = lax.axis_index("s") * NC + lax.axis_index("c")
    base = wid * BPW

    for i in range(NCH):
        pltpu.sync_copy(users_hbm.at[pl.ds(base + i * CH, CH)], uidx_v.at[i])
        pltpu.sync_copy(items_hbm.at[pl.ds(base + i * CH, CH)], iidx_v.at[i])

    copies = []
    for i in range(NCH):
        sl = pl.ds(i * CH, CH)
        copies.append(pltpu.async_copy(emb_hbm.at[uidx_v.at[i]], ue_v.at[sl], sem))
        copies.append(pltpu.async_copy(emb_hbm.at[iidx_v.at[i]], ie_v.at[sl], sem))
        copies.append(pltpu.async_copy(bias_hbm.at[uidx_v.at[i]], ub_v.at[sl], sem))
        copies.append(pltpu.async_copy(bias_hbm.at[iidx_v.at[i]], ib_v.at[sl], sem))
    for c in copies:
        c.wait()

    lane = lax.iota(jnp.int32, L)

    def group(g, carry):
        rows = g * L + lane
        accs = [None] * 4
        for j in range(N_FACTORS):
            col = jnp.full((L,), j, jnp.int32)
            a = plsc.load_gather(ue_v, [rows, col])
            b = plsc.load_gather(ie_v, [rows, col])
            p = a * b
            k = j % 4
            accs[k] = p if accs[k] is None else accs[k] + p
        bias = ub_v[pl.ds(g * L, L)] + ib_v[pl.ds(g * L, L)]
        out_v[pl.ds(g * L, L)] = (accs[0] + accs[1]) + (accs[2] + accs[3]) + bias
        return carry

    lax.fori_loop(0, BPW // L, group, 0, unroll=2)

    pltpu.sync_copy(out_v, out_hbm.at[pl.ds(base, BPW)])


@jax.jit
def kernel(users, items, user_embeddings, item_embeddings, user_biases, item_biases):
    n_rows = user_embeddings.shape[0]
    emb = jnp.concatenate([user_embeddings, item_embeddings], axis=0)
    bias = jnp.concatenate([user_biases.reshape(-1), item_biases.reshape(-1)])
    mesh = plsc.VectorSubcoreMesh(
        core_axis_name="c", subcore_axis_name="s", num_cores=NC, num_subcores=NS
    )
    run = functools.partial(
        pl.kernel,
        out_type=jax.ShapeDtypeStruct((BATCH,), jnp.float32),
        mesh=mesh,
        compiler_params=pltpu.CompilerParams(
            needs_layout_passes=False, use_tc_tiling_on_sc=False
        ),
        scratch_types=[
            pltpu.VMEM((NCH, CH), jnp.int32),
            pltpu.VMEM((NCH, CH), jnp.int32),
            pltpu.VMEM((BPW, N_FACTORS), jnp.float32),
            pltpu.VMEM((BPW, N_FACTORS), jnp.float32),
            pltpu.VMEM((BPW,), jnp.float32),
            pltpu.VMEM((BPW,), jnp.float32),
            pltpu.VMEM((BPW,), jnp.float32),
            pltpu.SemaphoreType.DMA,
        ],
    )(_body)
    return run(users.astype(jnp.int32), items.astype(jnp.int32) + n_rows,
               emb, bias)

# --- scband reference (transcript-rebuilt; emitter-appended) ---
"""Pipeline reference for scband-base-module-20074677141976 (READ-ONLY COPY).

The authoritative reference and input builder live on the scoring server;
editing this copy changes nothing except your own understanding.
"""

import jax, jax.numpy as jnp
import numpy as np

N_USERS = 1000000
N_ITEMS = 1000000
N_FACTORS = 32
BATCH = 16384


def setup_inputs(seed: int = 0) -> dict:
    key = jax.random.key(seed)
    ks = jax.random.split(key, 6)
    users = jax.random.randint(ks[0], (BATCH,), 0, N_USERS, dtype=jnp.int64 if jax.config.jax_enable_x64 else jnp.int32)
    items = jax.random.randint(ks[1], (BATCH,), 0, N_ITEMS, dtype=jnp.int64 if jax.config.jax_enable_x64 else jnp.int32)
    user_embeddings = jax.random.normal(ks[2], (N_USERS, N_FACTORS), dtype=jnp.float32)
    item_embeddings = jax.random.normal(ks[3], (N_ITEMS, N_FACTORS), dtype=jnp.float32)
    user_biases = jax.random.normal(ks[4], (N_USERS, 1), dtype=jnp.float32)
    item_biases = jax.random.normal(ks[5], (N_ITEMS, 1), dtype=jnp.float32)
    return {
        "users": users,
        "items": items,
        "user_embeddings": user_embeddings,
        "item_embeddings": item_embeddings,
        "user_biases": user_biases,
        "item_biases": item_biases,
    }


def reference(users, items, user_embeddings, item_embeddings, user_biases, item_biases):
    # Gather embeddings (SparseCore-style lookups)
    ues = jnp.take(user_embeddings, users, axis=0)  # [B, F]
    uis = jnp.take(item_embeddings, items, axis=0)  # [B, F]
    # dropout_p == 0 -> identity pass-through
    preds = jnp.sum(ues * uis, axis=1)  # [B]
    ub = jnp.take(user_biases, users, axis=0)[:, 0]  # [B]
    ib = jnp.take(item_biases, items, axis=0)[:, 0]  # [B]
    preds = preds + ub
    preds = preds + ib
    return preds

if __name__ == "__main__":
    import jax
    _d = setup_inputs()
    print(jax.jit(kernel)(*tuple(_d.values())))

</pallas_src>

<mosaic_0001>
#map = affine_map<(d0, d1) -> (0)>
#map1 = affine_map<(d0, d1) -> (0, 0)>
module attributes {stable_mosaic.version = 14 : i64} {
  func.func @_body(%arg0: i32, %arg1: i32, %arg2: memref<16384xi32, #tpu.memory_space<hbm>>, %arg3: memref<16384xi32, #tpu.memory_space<hbm>>, %arg4: memref<2000000x32xf32, #tpu.memory_space<hbm>>, %arg5: memref<2000000xf32, #tpu.memory_space<hbm>>, %arg6: memref<16384xf32, #tpu.memory_space<hbm>>, %arg7: memref<4x128xi32, #tpu.memory_space<vmem>>, %arg8: memref<4x128xi32, #tpu.memory_space<vmem>>, %arg9: memref<512x32xf32, #tpu.memory_space<vmem>>, %arg10: memref<512x32xf32, #tpu.memory_space<vmem>>, %arg11: memref<512xf32, #tpu.memory_space<vmem>>, %arg12: memref<512xf32, #tpu.memory_space<vmem>>, %arg13: memref<512xf32, #tpu.memory_space<vmem>>, %arg14: memref<!tpu.dma_semaphore, #tpu.memory_space<semaphore_mem>>) attributes {dimension_semantics = [#tpu.dimension_semantics<core_parallel>, #tpu.dimension_semantics<subcore_parallel>], iteration_bounds = array<i64: 2, 16>, scalar_prefetch = 0 : i64, scratch_operands = 8 : i64, tpu.core_type = #tpu.core_type<sc_vector_subcore>, window_params = [{transform_indices = #map}, {transform_indices = #map}, {transform_indices = #map1}, {transform_indices = #map}, {transform_indices = #map}]} {
    %mul3A = arith.constant 2 : i32
    %mul3A_0 = arith.muli %arg1, %mul3A : i32
    %add3A = arith.addi %mul3A_0, %arg0 : i32
    %mul3A_1 = arith.constant 512 : i32
    %mul3A_2 = arith.muli %add3A, %mul3A_1 : i32
    %add3A_3 = arith.constant 0 : i32
    %add3A_4 = arith.addi %mul3A_2, %add3A_3 : i32
    %run_scoped3A = arith.constant 0 : i32
    "tpu.region"() ({
      %run_scoped3A_317 = tpu.sem_alloc : memref<!tpu.dma_semaphore, #tpu.memory_space<semaphore_mem>>
      %dma_start3A_318 = arith.constant 0 : i32
      %dma_start3A_319 = tpu.memref_slice %arg7[%run_scoped3A, %dma_start3A_318] : memref<4x128xi32, #tpu.memory_space<vmem>> -> memref<1x128xi32, #tpu.memory_space<vmem>>
      %dma_start3A_320 = tpu.memref_squeeze %dma_start3A_319 : memref<1x128xi32, #tpu.memory_space<vmem>> -> memref<128xi32, #tpu.memory_space<vmem>>
      %dma_start3A_321 = tpu.memref_slice %arg2[%add3A_4] : memref<16384xi32, #tpu.memory_space<hbm>> -> memref<128xi32, #tpu.memory_space<hbm>>
      %dma_start3A_322 = arith.constant 0 : i32
      %dma_start3A_323 = tpu.memref_slice %arg7[%run_scoped3A, %dma_start3A_322] : memref<4x128xi32, #tpu.memory_space<vmem>> -> memref<1x128xi32, #tpu.memory_space<vmem>>
      %dma_start3A_324 = tpu.memref_squeeze %dma_start3A_323 : memref<1x128xi32, #tpu.memory_space<vmem>> -> memref<128xi32, #tpu.memory_space<vmem>>
      %dma_start3A_325 = tpu.memref_slice %arg2[%add3A_4] : memref<16384xi32, #tpu.memory_space<hbm>> -> memref<128xi32, #tpu.memory_space<hbm>>
      tpu.enqueue_dma source(%dma_start3A_325 : memref<128xi32, #tpu.memory_space<hbm>>) target(%dma_start3A_324 : memref<128xi32, #tpu.memory_space<vmem>>) target_semaphore(%run_scoped3A_317 : memref<!tpu.dma_semaphore, #tpu.memory_space<semaphore_mem>>)
      %dma_wait3A_326 = arith.constant 0 : i32
      %dma_wait3A_327 = tpu.memref_slice %arg7[%run_scoped3A, %dma_wait3A_326] : memref<4x128xi32, #tpu.memory_space<vmem>> -> memref<1x128xi32, #tpu.memory_space<vmem>>
      %dma_wait3A_328 = tpu.memref_squeeze %dma_wait3A_327 : memref<1x128xi32, #tpu.memory_space<vmem>> -> memref<128xi32, #tpu.memory_space<vmem>>
      %dma_wait3A_329 = tpu.memref_slice %arg2[%add3A_4] : memref<16384xi32, #tpu.memory_space<hbm>> -> memref<128xi32, #tpu.memory_space<hbm>>
      %dma_wait3A_330 = arith.constant 0 : i32
      %dma_wait3A_331 = tpu.memref_slice %arg7[%run_scoped3A, %dma_wait3A_330] : memref<4x128xi32, #tpu.memory_space<vmem>> -> memref<1x128xi32, #tpu.memory_space<vmem>>
      %dma_wait3A_332 = tpu.memref_squeeze %dma_wait3A_331 : memref<1x128xi32, #tpu.memory_space<vmem>> -> memref<128xi32, #tpu.memory_space<vmem>>
      %dma_wait3A_333 = tpu.memref_slice %arg2[%add3A_4] : memref<16384xi32, #tpu.memory_space<hbm>> -> memref<128xi32, #tpu.memory_space<hbm>>
      tpu.wait_dma2 semaphore(%run_scoped3A_317 : memref<!tpu.dma_semaphore, #tpu.memory_space<semaphore_mem>>) src(%dma_wait3A_333 : memref<128xi32, #tpu.memory_space<hbm>>) dst(%dma_wait3A_332 : memref<128xi32, #tpu.memory_space<vmem>>)
      tpu.yield
    }) : () -> ()
    %add3A_5 = arith.constant 0 : i32
    %add3A_6 = arith.addi %mul3A_2, %add3A_5 : i32
    %run_scoped3A_7 = arith.constant 0 : i32
    "tpu.region"() ({
      %run_scoped3A_317 = tpu.sem_alloc : memref<!tpu.dma_semaphore, #tpu.memory_space<semaphore_mem>>
      %dma_start3A_318 = arith.constant 0 : i32
      %dma_start3A_319 = tpu.memref_slice %arg8[%run_scoped3A_7, %dma_start3A_318] : memref<4x128xi32, #tpu.memory_space<vmem>> -> memref<1x128xi32, #tpu.memory_space<vmem>>
      %dma_start3A_320 = tpu.memref_squeeze %dma_start3A_319 : memref<1x128xi32, #tpu.memory_space<vmem>> -> memref<128xi32, #tpu.memory_space<vmem>>
      %dma_start3A_321 = tpu.memref_slice %arg3[%add3A_6] : memref<16384xi32, #tpu.memory_space<hbm>> -> memref<128xi32, #tpu.memory_space<hbm>>
      %dma_start3A_322 = arith.constant 0 : i32
      %dma_start3A_323 = tpu.memref_slice %arg8[%run_scoped3A_7, %dma_start3A_322] : memref<4x128xi32, #tpu.memory_space<vmem>> -> memref<1x128xi32, #tpu.memory_space<vmem>>
      %dma_start3A_324 = tpu.memref_squeeze %dma_start3A_323 : memref<1x128xi32, #tpu.memory_space<vmem>> -> memref<128xi32, #tpu.memory_space<vmem>>
      %dma_start3A_325 = tpu.memref_slice %arg3[%add3A_6] : memref<16384xi32, #tpu.memory_space<hbm>> -> memref<128xi32, #tpu.memory_space<hbm>>
      tpu.enqueue_dma source(%dma_start3A_325 : memref<128xi32, #tpu.memory_space<hbm>>) target(%dma_start3A_324 : memref<128xi32, #tpu.memory_space<vmem>>) target_semaphore(%run_scoped3A_317 : memref<!tpu.dma_semaphore, #tpu.memory_space<semaphore_mem>>)
      %dma_wait3A_326 = arith.constant 0 : i32
      %dma_wait3A_327 = tpu.memref_slice %arg8[%run_scoped3A_7, %dma_wait3A_326] : memref<4x128xi32, #tpu.memory_space<vmem>> -> memref<1x128xi32, #tpu.memory_space<vmem>>
      %dma_wait3A_328 = tpu.memref_squeeze %dma_wait3A_327 : memref<1x128xi32, #tpu.memory_space<vmem>> -> memref<128xi32, #tpu.memory_space<vmem>>
      %dma_wait3A_329 = tpu.memref_slice %arg3[%add3A_6] : memref<16384xi32, #tpu.memory_space<hbm>> -> memref<128xi32, #tpu.memory_space<hbm>>
      %dma_wait3A_330 = arith.constant 0 : i32
      %dma_wait3A_331 = tpu.memref_slice %arg8[%run_scoped3A_7, %dma_wait3A_330] : memref<4x128xi32, #tpu.memory_space<vmem>> -> memref<1x128xi32, #tpu.memory_space<vmem>>
      %dma_wait3A_332 = tpu.memref_squeeze %dma_wait3A_331 : memref<1x128xi32, #tpu.memory_space<vmem>> -> memref<128xi32, #tpu.memory_space<vmem>>
      %dma_wait3A_333 = tpu.memref_slice %arg3[%add3A_6] : memref<16384xi32, #tpu.memory_space<hbm>> -> memref<128xi32, #tpu.memory_space<hbm>>
      tpu.wait_dma2 semaphore(%run_scoped3A_317 : memref<!tpu.dma_semaphore, #tpu.memory_space<semaphore_mem>>) src(%dma_wait3A_333 : memref<128xi32, #tpu.memory_space<hbm>>) dst(%dma_wait3A_332 : memref<128xi32, #tpu.memory_space<vmem>>)
      tpu.yield
    }) : () -> ()
    %add3A_8 = arith.constant 128 : i32
    %add3A_9 = arith.addi %mul3A_2, %add3A_8 : i32
    %run_scoped3A_10 = arith.constant 1 : i32
    "tpu.region"() ({
      %run_scoped3A_317 = tpu.sem_alloc : memref<!tpu.dma_semaphore, #tpu.memory_space<semaphore_mem>>
      %dma_start3A_318 = arith.constant 0 : i32
      %dma_start3A_319 = tpu.memref_slice %arg7[%run_scoped3A_10, %dma_start3A_318] : memref<4x128xi32, #tpu.memory_space<vmem>> -> memref<1x128xi32, #tpu.memory_space<vmem>>
      %dma_start3A_320 = tpu.memref_squeeze %dma_start3A_319 : memref<1x128xi32, #tpu.memory_space<vmem>> -> memref<128xi32, #tpu.memory_space<vmem>>
      %dma_start3A_321 = tpu.memref_slice %arg2[%add3A_9] : memref<16384xi32, #tpu.memory_space<hbm>> -> memref<128xi32, #tpu.memory_space<hbm>>
      %dma_start3A_322 = arith.constant 0 : i32
      %dma_start3A_323 = tpu.memref_slice %arg7[%run_scoped3A_10, %dma_start3A_322] : memref<4x128xi32, #tpu.memory_space<vmem>> -> memref<1x128xi32, #tpu.memory_space<vmem>>
      %dma_start3A_324 = tpu.memref_squeeze %dma_start3A_323 : memref<1x128xi32, #tpu.memory_space<vmem>> -> memref<128xi32, #tpu.memory_space<vmem>>
      %dma_start3A_325 = tpu.memref_slice %arg2[%add3A_9] : memref<16384xi32, #tpu.memory_space<hbm>> -> memref<128xi32, #tpu.memory_space<hbm>>
      tpu.enqueue_dma source(%dma_start3A_325 : memref<128xi32, #tpu.memory_space<hbm>>) target(%dma_start3A_324 : memref<128xi32, #tpu.memory_space<vmem>>) target_semaphore(%run_scoped3A_317 : memref<!tpu.dma_semaphore, #tpu.memory_space<semaphore_mem>>)
      %dma_wait3A_326 = arith.constant 0 : i32
      %dma_wait3A_327 = tpu.memref_slice %arg7[%run_scoped3A_10, %dma_wait3A_326] : memref<4x128xi32, #tpu.memory_space<vmem>> -> memref<1x128xi32, #tpu.memory_space<vmem>>
      %dma_wait3A_328 = tpu.memref_squeeze %dma_wait3A_327 : memref<1x128xi32, #tpu.memory_space<vmem>> -> memref<128xi32, #tpu.memory_space<vmem>>
      %dma_wait3A_329 = tpu.memref_slice %arg2[%add3A_9] : memref<16384xi32, #tpu.memory_space<hbm>> -> memref<128xi32, #tpu.memory_space<hbm>>
      %dma_wait3A_330 = arith.constant 0 : i32
      %dma_wait3A_331 = tpu.memref_slice %arg7[%run_scoped3A_10, %dma_wait3A_330] : memref<4x128xi32, #tpu.memory_space<vmem>> -> memref<1x128xi32, #tpu.memory_space<vmem>>
      %dma_wait3A_332 = tpu.memref_squeeze %dma_wait3A_331 : memref<1x128xi32, #tpu.memory_space<vmem>> -> memref<128xi32, #tpu.memory_space<vmem>>
      %dma_wait3A_333 = tpu.memref_slice %arg2[%add3A_9] : memref<16384xi32, #tpu.memory_space<hbm>> -> memref<128xi32, #tpu.memory_space<hbm>>
      tpu.wait_dma2 semaphore(%run_scoped3A_317 : memref<!tpu.dma_semaphore, #tpu.memory_space<semaphore_mem>>) src(%dma_wait3A_333 : memref<128xi32, #tpu.memory_space<hbm>>) dst(%dma_wait3A_332 : memref<128xi32, #tpu.memory_space<vmem>>)
      tpu.yield
    }) : () -> ()
    %add3A_11 = arith.constant 128 : i32
    %add3A_12 = arith.addi %mul3A_2, %add3A_11 : i32
    %run_scoped3A_13 = arith.constant 1 : i32
    "tpu.region"() ({
      %run_scoped3A_317 = tpu.sem_alloc : memref<!tpu.dma_semaphore, #tpu.memory_space<semaphore_mem>>
      %dma_start3A_318 = arith.constant 0 : i32
      %dma_start3A_319 = tpu.memref_slice %arg8[%run_scoped3A_13, %dma_start3A_318] : memref<4x128xi32, #tpu.memory_space<vmem>> -> memref<1x128xi32, #tpu.memory_space<vmem>>
      %dma_start3A_320 = tpu.memref_squeeze %dma_start3A_319 : memref<1x128xi32, #tpu.memory_space<vmem>> -> memref<128xi32, #tpu.memory_space<vmem>>
      %dma_start3A_321 = tpu.memref_slice %arg3[%add3A_12] : memref<16384xi32, #tpu.memory_space<hbm>> -> memref<128xi32, #tpu.memory_space<hbm>>
      %dma_start3A_322 = arith.constant 0 : i32
      %dma_start3A_323 = tpu.memref_slice %arg8[%run_scoped3A_13, %dma_start3A_322] : memref<4x128xi32, #tpu.memory_space<vmem>> -> memref<1x128xi32, #tpu.memory_space<vmem>>
      %dma_start3A_324 = tpu.memref_squeeze %dma_start3A_323 : memref<1x128xi32, #tpu.memory_space<vmem>> -> memref<128xi32, #tpu.memory_space<vmem>>
      %dma_start3A_325 = tpu.memref_slice %arg3[%add3A_12] : memref<16384xi32, #tpu.memory_space<hbm>> -> memref<128xi32, #tpu.memory_space<hbm>>
      tpu.enqueue_dma source(%dma_start3A_325 : memref<128xi32, #tpu.memory_space<hbm>>) target(%dma_start3A_324 : memref<128xi32, #tpu.memory_space<vmem>>) target_semaphore(%run_scoped3A_317 : memref<!tpu.dma_semaphore, #tpu.memory_space<semaphore_mem>>)
      %dma_wait3A_326 = arith.constant 0 : i32
      %dma_wait3A_327 = tpu.memref_slice %arg8[%run_scoped3A_13, %dma_wait3A_326] : memref<4x128xi32, #tpu.memory_space<vmem>> -> memref<1x128xi32, #tpu.memory_space<vmem>>
      %dma_wait3A_328 = tpu.memref_squeeze %dma_wait3A_327 : memref<1x128xi32, #tpu.memory_space<vmem>> -> memref<128xi32, #tpu.memory_space<vmem>>
      %dma_wait3A_329 = tpu.memref_slice %arg3[%add3A_12] : memref<16384xi32, #tpu.memory_space<hbm>> -> memref<128xi32, #tpu.memory_space<hbm>>
      %dma_wait3A_330 = arith.constant 0 : i32
      %dma_wait3A_331 = tpu.memref_slice %arg8[%run_scoped3A_13, %dma_wait3A_330] : memref<4x128xi32, #tpu.memory_space<vmem>> -> memref<1x128xi32, #tpu.memory_space<vmem>>
      %dma_wait3A_332 = tpu.memref_squeeze %dma_wait3A_331 : memref<1x128xi32, #tpu.memory_space<vmem>> -> memref<128xi32, #tpu.memory_space<vmem>>
      %dma_wait3A_333 = tpu.memref_slice %arg3[%add3A_12] : memref<16384xi32, #tpu.memory_space<hbm>> -> memref<128xi32, #tpu.memory_space<hbm>>
      tpu.wait_dma2 semaphore(%run_scoped3A_317 : memref<!tpu.dma_semaphore, #tpu.memory_space<semaphore_mem>>) src(%dma_wait3A_333 : memref<128xi32, #tpu.memory_space<hbm>>) dst(%dma_wait3A_332 : memref<128xi32, #tpu.memory_space<vmem>>)
      tpu.yield
    }) : () -> ()
    %add3A_14 = arith.constant 256 : i32
    %add3A_15 = arith.addi %mul3A_2, %add3A_14 : i32
    %run_scoped3A_16 = arith.constant 2 : i32
    "tpu.region"() ({
      %run_scoped3A_317 = tpu.sem_alloc : memref<!tpu.dma_semaphore, #tpu.memory_space<semaphore_mem>>
      %dma_start3A_318 = arith.constant 0 : i32
      %dma_start3A_319 = tpu.memref_slice %arg7[%run_scoped3A_16, %dma_start3A_318] : memref<4x128xi32, #tpu.memory_space<vmem>> -> memref<1x128xi32, #tpu.memory_space<vmem>>
      %dma_start3A_320 = tpu.memref_squeeze %dma_start3A_319 : memref<1x128xi32, #tpu.memory_space<vmem>> -> memref<128xi32, #tpu.memory_space<vmem>>
      %dma_start3A_321 = tpu.memref_slice %arg2[%add3A_15] : memref<16384xi32, #tpu.memory_space<hbm>> -> memref<128xi32, #tpu.memory_space<hbm>>
      %dma_start3A_322 = arith.constant 0 : i32
      %dma_start3A_323 = tpu.memref_slice %arg7[%run_scoped3A_16, %dma_start3A_322] : memref<4x128xi32, #tpu.memory_space<vmem>> -> memref<1x128xi32, #tpu.memory_space<vmem>>
      %dma_start3A_324 = tpu.memref_squeeze %dma_start3A_323 : memref<1x128xi32, #tpu.memory_space<vmem>> -> memref<128xi32, #tpu.memory_space<vmem>>
      %dma_start3A_325 = tpu.memref_slice %arg2[%add3A_15] : memref<16384xi32, #tpu.memory_space<hbm>> -> memref<128xi32, #tpu.memory_space<hbm>>
      tpu.enqueue_dma source(%dma_start3A_325 : memref<128xi32, #tpu.memory_space<hbm>>) target(%dma_start3A_324 : memref<128xi32, #tpu.memory_space<vmem>>) target_semaphore(%run_scoped3A_317 : memref<!tpu.dma_semaphore, #tpu.memory_space<semaphore_mem>>)
      %dma_wait3A_326 = arith.constant 0 : i32
      %dma_wait3A_327 = tpu.memref_slice %arg7[%run_scoped3A_16, %dma_wait3A_326] : memref<4x128xi32, #tpu.memory_space<vmem>> -> memref<1x128xi32, #tpu.memory_space<vmem>>
      %dma_wait3A_328 = tpu.memref_squeeze %dma_wait3A_327 : memref<1x128xi32, #tpu.memory_space<vmem>> -> memref<128xi32, #tpu.memory_space<vmem>>
      %dma_wait3A_329 = tpu.memref_slice %arg2[%add3A_15] : memref<16384xi32, #tpu.memory_space<hbm>> -> memref<128xi32, #tpu.memory_space<hbm>>
      %dma_wait3A_330 = arith.constant 0 : i32
      %dma_wait3A_331 = tpu.memref_slice %arg7[%run_scoped3A_16, %dma_wait3A_330] : memref<4x128xi32, #tpu.memory_space<vmem>> -> memref<1x128xi32, #tpu.memory_space<vmem>>
      %dma_wait3A_332 = tpu.memref_squeeze %dma_wait3A_331 : memref<1x128xi32, #tpu.memory_space<vmem>> -> memref<128xi32, #tpu.memory_space<vmem>>
      %dma_wait3A_333 = tpu.memref_slice %arg2[%add3A_15] : memref<16384xi32, #tpu.memory_space<hbm>> -> memref<128xi32, #tpu.memory_space<hbm>>
      tpu.wait_dma2 semaphore(%run_scoped3A_317 : memref<!tpu.dma_semaphore, #tpu.memory_space<semaphore_mem>>) src(%dma_wait3A_333 : memref<128xi32, #tpu.memory_space<hbm>>) dst(%dma_wait3A_332 : memref<128xi32, #tpu.memory_space<vmem>>)
      tpu.yield
    }) : () -> ()
    %add3A_17 = arith.constant 256 : i32
    %add3A_18 = arith.addi %mul3A_2, %add3A_17 : i32
    %run_scoped3A_19 = arith.constant 2 : i32
    "tpu.region"() ({
      %run_scoped3A_317 = tpu.sem_alloc : memref<!tpu.dma_semaphore, #tpu.memory_space<semaphore_mem>>
      %dma_start3A_318 = arith.constant 0 : i32
      %dma_start3A_319 = tpu.memref_slice %arg8[%run_scoped3A_19, %dma_start3A_318] : memref<4x128xi32, #tpu.memory_space<vmem>> -> memref<1x128xi32, #tpu.memory_space<vmem>>
      %dma_start3A_320 = tpu.memref_squeeze %dma_start3A_319 : memref<1x128xi32, #tpu.memory_space<vmem>> -> memref<128xi32, #tpu.memory_space<vmem>>
      %dma_start3A_321 = tpu.memref_slice %arg3[%add3A_18] : memref<16384xi32, #tpu.memory_space<hbm>> -> memref<128xi32, #tpu.memory_space<hbm>>
      %dma_start3A_322 = arith.constant 0 : i32
      %dma_start3A_323 = tpu.memref_slice %arg8[%run_scoped3A_19, %dma_start3A_322] : memref<4x128xi32, #tpu.memory_space<vmem>> -> memref<1x128xi32, #tpu.memory_space<vmem>>
      %dma_start3A_324 = tpu.memref_squeeze %dma_start3A_323 : memref<1x128xi32, #tpu.memory_space<vmem>> -> memref<128xi32, #tpu.memory_space<vmem>>
      %dma_start3A_325 = tpu.memref_slice %arg3[%add3A_18] : memref<16384xi32, #tpu.memory_space<hbm>> -> memref<128xi32, #tpu.memory_space<hbm>>
      tpu.enqueue_dma source(%dma_start3A_325 : memref<128xi32, #tpu.memory_space<hbm>>) target(%dma_start3A_324 : memref<128xi32, #tpu.memory_space<vmem>>) target_semaphore(%run_scoped3A_317 : memref<!tpu.dma_semaphore, #tpu.memory_space<semaphore_mem>>)
      %dma_wait3A_326 = arith.constant 0 : i32
      %dma_wait3A_327 = tpu.memref_slice %arg8[%run_scoped3A_19, %dma_wait3A_326] : memref<4x128xi32, #tpu.memory_space<vmem>> -> memref<1x128xi32, #tpu.memory_space<vmem>>
      %dma_wait3A_328 = tpu.memref_squeeze %dma_wait3A_327 : memref<1x128xi32, #tpu.memory_space<vmem>> -> memref<128xi32, #tpu.memory_space<vmem>>
      %dma_wait3A_329 = tpu.memref_slice %arg3[%add3A_18] : memref<16384xi32, #tpu.memory_space<hbm>> -> memref<128xi32, #tpu.memory_space<hbm>>
      %dma_wait3A_330 = arith.constant 0 : i32
      %dma_wait3A_331 = tpu.memref_slice %arg8[%run_scoped3A_19, %dma_wait3A_330] : memref<4x128xi32, #tpu.memory_space<vmem>> -> memref<1x128xi32, #tpu.memory_space<vmem>>
      %dma_wait3A_332 = tpu.memref_squeeze %dma_wait3A_331 : memref<1x128xi32, #tpu.memory_space<vmem>> -> memref<128xi32, #tpu.memory_space<vmem>>
      %dma_wait3A_333 = tpu.memref_slice %arg3[%add3A_18] : memref<16384xi32, #tpu.memory_space<hbm>> -> memref<128xi32, #tpu.memory_space<hbm>>
      tpu.wait_dma2 semaphore(%run_scoped3A_317 : memref<!tpu.dma_semaphore, #tpu.memory_space<semaphore_mem>>) src(%dma_wait3A_333 : memref<128xi32, #tpu.memory_space<hbm>>) dst(%dma_wait3A_332 : memref<128xi32, #tpu.memory_space<vmem>>)
      tpu.yield
    }) : () -> ()
    %add3A_20 = arith.constant 384 : i32
    %add3A_21 = arith.addi %mul3A_2, %add3A_20 : i32
    %run_scoped3A_22 = arith.constant 3 : i32
    "tpu.region"() ({
      %run_scoped3A_317 = tpu.sem_alloc : memref<!tpu.dma_semaphore, #tpu.memory_space<semaphore_mem>>
      %dma_start3A_318 = arith.constant 0 : i32
      %dma_start3A_319 = tpu.memref_slice %arg7[%run_scoped3A_22, %dma_start3A_318] : memref<4x128xi32, #tpu.memory_space<vmem>> -> memref<1x128xi32, #tpu.memory_space<vmem>>
      %dma_start3A_320 = tpu.memref_squeeze %dma_start3A_319 : memref<1x128xi32, #tpu.memory_space<vmem>> -> memref<128xi32, #tpu.memory_space<vmem>>
      %dma_start3A_321 = tpu.memref_slice %arg2[%add3A_21] : memref<16384xi32, #tpu.memory_space<hbm>> -> memref<128xi32, #tpu.memory_space<hbm>>
      %dma_start3A_322 = arith.constant 0 : i32
      %dma_start3A_323 = tpu.memref_slice %arg7[%run_scoped3A_22, %dma_start3A_322] : memref<4x128xi32, #tpu.memory_space<vmem>> -> memref<1x128xi32, #tpu.memory_space<vmem>>
      %dma_start3A_324 = tpu.memref_squeeze %dma_start3A_323 : memref<1x128xi32, #tpu.memory_space<vmem>> -> memref<128xi32, #tpu.memory_space<vmem>>
      %dma_start3A_325 = tpu.memref_slice %arg2[%add3A_21] : memref<16384xi32, #tpu.memory_space<hbm>> -> memref<128xi32, #tpu.memory_space<hbm>>
      tpu.enqueue_dma source(%dma_start3A_325 : memref<128xi32, #tpu.memory_space<hbm>>) target(%dma_start3A_324 : memref<128xi32, #tpu.memory_space<vmem>>) target_semaphore(%run_scoped3A_317 : memref<!tpu.dma_semaphore, #tpu.memory_space<semaphore_mem>>)
      %dma_wait3A_326 = arith.constant 0 : i32
      %dma_wait3A_327 = tpu.memref_slice %arg7[%run_scoped3A_22, %dma_wait3A_326] : memref<4x128xi32, #tpu.memory_space<vmem>> -> memref<1x128xi32, #tpu.memory_space<vmem>>
      %dma_wait3A_328 = tpu.memref_squeeze %dma_wait3A_327 : memref<1x128xi32, #tpu.memory_space<vmem>> -> memref<128xi32, #tpu.memory_space<vmem>>
      %dma_wait3A_329 = tpu.memref_slice %arg2[%add3A_21] : memref<16384xi32, #tpu.memory_space<hbm>> -> memref<128xi32, #tpu.memory_space<hbm>>
      %dma_wait3A_330 = arith.constant 0 : i32
      %dma_wait3A_331 = tpu.memref_slice %arg7[%run_scoped3A_22, %dma_wait3A_330] : memref<4x128xi32, #tpu.memory_space<vmem>> -> memref<1x128xi32, #tpu.memory_space<vmem>>
      %dma_wait3A_332 = tpu.memref_squeeze %dma_wait3A_331 : memref<1x128xi32, #tpu.memory_space<vmem>> -> memref<128xi32, #tpu.memory_space<vmem>>
      %dma_wait3A_333 = tpu.memref_slice %arg2[%add3A_21] : memref<16384xi32, #tpu.memory_space<hbm>> -> memref<128xi32, #tpu.memory_space<hbm>>
      tpu.wait_dma2 semaphore(%run_scoped3A_317 : memref<!tpu.dma_semaphore, #tpu.memory_space<semaphore_mem>>) src(%dma_wait3A_333 : memref<128xi32, #tpu.memory_space<hbm>>) dst(%dma_wait3A_332 : memref<128xi32, #tpu.memory_space<vmem>>)
      tpu.yield
    }) : () -> ()
    %add3A_23 = arith.constant 384 : i32
    %add3A_24 = arith.addi %mul3A_2, %add3A_23 : i32
    %run_scoped3A_25 = arith.constant 3 : i32
    "tpu.region"() ({
      %run_scoped3A_317 = tpu.sem_alloc : memref<!tpu.dma_semaphore, #tpu.memory_space<semaphore_mem>>
      %dma_start3A_318 = arith.constant 0 : i32
      %dma_start3A_319 = tpu.memref_slice %arg8[%run_scoped3A_25, %dma_start3A_318] : memref<4x128xi32, #tpu.memory_space<vmem>> -> memref<1x128xi32, #tpu.memory_space<vmem>>
      %dma_start3A_320 = tpu.memref_squeeze %dma_start3A_319 : memref<1x128xi32, #tpu.memory_space<vmem>> -> memref<128xi32, #tpu.memory_space<vmem>>
      %dma_start3A_321 = tpu.memref_slice %arg3[%add3A_24] : memref<16384xi32, #tpu.memory_space<hbm>> -> memref<128xi32, #tpu.memory_space<hbm>>
      %dma_start3A_322 = arith.constant 0 : i32
      %dma_start3A_323 = tpu.memref_slice %arg8[%run_scoped3A_25, %dma_start3A_322] : memref<4x128xi32, #tpu.memory_space<vmem>> -> memref<1x128xi32, #tpu.memory_space<vmem>>
      %dma_start3A_324 = tpu.memref_squeeze %dma_start3A_323 : memref<1x128xi32, #tpu.memory_space<vmem>> -> memref<128xi32, #tpu.memory_space<vmem>>
      %dma_start3A_325 = tpu.memref_slice %arg3[%add3A_24] : memref<16384xi32, #tpu.memory_space<hbm>> -> memref<128xi32, #tpu.memory_space<hbm>>
      tpu.enqueue_dma source(%dma_start3A_325 : memref<128xi32, #tpu.memory_space<hbm>>) target(%dma_start3A_324 : memref<128xi32, #tpu.memory_space<vmem>>) target_semaphore(%run_scoped3A_317 : memref<!tpu.dma_semaphore, #tpu.memory_space<semaphore_mem>>)
      %dma_wait3A_326 = arith.constant 0 : i32
      %dma_wait3A_327 = tpu.memref_slice %arg8[%run_scoped3A_25, %dma_wait3A_326] : memref<4x128xi32, #tpu.memory_space<vmem>> -> memref<1x128xi32, #tpu.memory_space<vmem>>
      %dma_wait3A_328 = tpu.memref_squeeze %dma_wait3A_327 : memref<1x128xi32, #tpu.memory_space<vmem>> -> memref<128xi32, #tpu.memory_space<vmem>>
      %dma_wait3A_329 = tpu.memref_slice %arg3[%add3A_24] : memref<16384xi32, #tpu.memory_space<hbm>> -> memref<128xi32, #tpu.memory_space<hbm>>
      %dma_wait3A_330 = arith.constant 0 : i32
      %dma_wait3A_331 = tpu.memref_slice %arg8[%run_scoped3A_25, %dma_wait3A_330] : memref<4x128xi32, #tpu.memory_space<vmem>> -> memref<1x128xi32, #tpu.memory_space<vmem>>
      %dma_wait3A_332 = tpu.memref_squeeze %dma_wait3A_331 : memref<1x128xi32, #tpu.memory_space<vmem>> -> memref<128xi32, #tpu.memory_space<vmem>>
      %dma_wait3A_333 = tpu.memref_slice %arg3[%add3A_24] : memref<16384xi32, #tpu.memory_space<hbm>> -> memref<128xi32, #tpu.memory_space<hbm>>
      tpu.wait_dma2 semaphore(%run_scoped3A_317 : memref<!tpu.dma_semaphore, #tpu.memory_space<semaphore_mem>>) src(%dma_wait3A_333 : memref<128xi32, #tpu.memory_space<hbm>>) dst(%dma_wait3A_332 : memref<128xi32, #tpu.memory_space<vmem>>)
      tpu.yield
    }) : () -> ()
    %dma_start3A = arith.constant 0 : i32
    %dma_start3A_26 = arith.constant 0 : i32
    %dma_start3A_27 = arith.constant 0 : i32
    %dma_start3A_28 = tpu.memref_slice %arg9[%dma_start3A_26, %dma_start3A_27] : memref<512x32xf32, #tpu.memory_space<vmem>> -> memref<128x32xf32, #tpu.memory_space<vmem>>
    %dma_start3A_29 = arith.constant 0 : i32
    %dma_start3A_30 = tpu.memref_slice %arg7[%dma_start3A, %dma_start3A_29] : memref<4x128xi32, #tpu.memory_space<vmem>> -> memref<1x128xi32, #tpu.memory_space<vmem>>
    %dma_start3A_31 = tpu.memref_squeeze %dma_start3A_30 : memref<1x128xi32, #tpu.memory_space<vmem>> -> memref<128xi32, #tpu.memory_space<vmem>>
    %dma_start3A_32 = arith.constant 0 : i32
    %dma_start3A_33 = arith.constant 0 : i32
    %dma_start3A_34 = tpu.memref_slice %arg4[%dma_start3A_32, %dma_start3A_33] : memref<2000000x32xf32, #tpu.memory_space<hbm>> -> memref<2000000x32xf32, #tpu.memory_space<hbm>>
    tpu.enqueue_indirect_dma source(%dma_start3A_34 : memref<2000000x32xf32, #tpu.memory_space<hbm>>) target(%dma_start3A_28 : memref<128x32xf32, #tpu.memory_space<vmem>>) offsets(%dma_start3A_31 : memref<128xi32, #tpu.memory_space<vmem>>) semaphore(%arg14 : memref<!tpu.dma_semaphore, #tpu.memory_space<semaphore_mem>>)
    %dma_start3A_35 = arith.constant 0 : i32
    %dma_start3A_36 = arith.constant 0 : i32
    %dma_start3A_37 = arith.constant 0 : i32
    %dma_start3A_38 = tpu.memref_slice %arg10[%dma_start3A_36, %dma_start3A_37] : memref<512x32xf32, #tpu.memory_space<vmem>> -> memref<128x32xf32, #tpu.memory_space<vmem>>
    %dma_start3A_39 = arith.constant 0 : i32
    %dma_start3A_40 = tpu.memref_slice %arg8[%dma_start3A_35, %dma_start3A_39] : memref<4x128xi32, #tpu.memory_space<vmem>> -> memref<1x128xi32, #tpu.memory_space<vmem>>
    %dma_start3A_41 = tpu.memref_squeeze %dma_start3A_40 : memref<1x128xi32, #tpu.memory_space<vmem>> -> memref<128xi32, #tpu.memory_space<vmem>>
    %dma_start3A_42 = arith.constant 0 : i32
    %dma_start3A_43 = arith.constant 0 : i32
    %dma_start3A_44 = tpu.memref_slice %arg4[%dma_start3A_42, %dma_start3A_43] : memref<2000000x32xf32, #tpu.memory_space<hbm>> -> memref<2000000x32xf32, #tpu.memory_space<hbm>>
    tpu.enqueue_indirect_dma source(%dma_start3A_44 : memref<2000000x32xf32, #tpu.memory_space<hbm>>) target(%dma_start3A_38 : memref<128x32xf32, #tpu.memory_space<vmem>>) offsets(%dma_start3A_41 : memref<128xi32, #tpu.memory_space<vmem>>) semaphore(%arg14 : memref<!tpu.dma_semaphore, #tpu.memory_space<semaphore_mem>>)
    %dma_start3A_45 = arith.constant 0 : i32
    %dma_start3A_46 = arith.constant 0 : i32
    %dma_start3A_47 = tpu.memref_slice %arg11[%dma_start3A_46] : memref<512xf32, #tpu.memory_space<vmem>> -> memref<128xf32, #tpu.memory_space<vmem>>
    %dma_start3A_48 = arith.constant 0 : i32
    %dma_start3A_49 = tpu.memref_slice %arg7[%dma_start3A_45, %dma_start3A_48] : memref<4x128xi32, #tpu.memory_space<vmem>> -> memref<1x128xi32, #tpu.memory_space<vmem>>
    %dma_start3A_50 = tpu.memref_squeeze %dma_start3A_49 : memref<1x128xi32, #tpu.memory_space<vmem>> -> memref<128xi32, #tpu.memory_space<vmem>>
    %dma_start3A_51 = arith.constant 0 : i32
    %dma_start3A_52 = tpu.memref_slice %arg5[%dma_start3A_51] : memref<2000000xf32, #tpu.memory_space<hbm>> -> memref<2000000xf32, #tpu.memory_space<hbm>>
    tpu.enqueue_indirect_dma source(%dma_start3A_52 : memref<2000000xf32, #tpu.memory_space<hbm>>) target(%dma_start3A_47 : memref<128xf32, #tpu.memory_space<vmem>>) offsets(%dma_start3A_50 : memref<128xi32, #tpu.memory_space<vmem>>) semaphore(%arg14 : memref<!tpu.dma_semaphore, #tpu.memory_space<semaphore_mem>>)
    %dma_start3A_53 = arith.constant 0 : i32
    %dma_start3A_54 = arith.constant 0 : i32
    %dma_start3A_55 = tpu.memref_slice %arg12[%dma_start3A_54] : memref<512xf32, #tpu.memory_space<vmem>> -> memref<128xf32, #tpu.memory_space<vmem>>
    %dma_start3A_56 = arith.constant 0 : i32
    %dma_start3A_57 = tpu.memref_slice %arg8[%dma_start3A_53, %dma_start3A_56] : memref<4x128xi32, #tpu.memory_space<vmem>> -> memref<1x128xi32, #tpu.memory_space<vmem>>
    %dma_start3A_58 = tpu.memref_squeeze %dma_start3A_57 : memref<1x128xi32, #tpu.memory_space<vmem>> -> memref<128xi32, #tpu.memory_space<vmem>>
    %dma_start3A_59 = arith.constant 0 : i32
    %dma_start3A_60 = tpu.memref_slice %arg5[%dma_start3A_59] : memref<2000000xf32, #tpu.memory_space<hbm>> -> memref<2000000xf32, #tpu.memory_space<hbm>>
    tpu.enqueue_indirect_dma source(%dma_start3A_60 : memref<2000000xf32, #tpu.memory_space<hbm>>) target(%dma_start3A_55 : memref<128xf32, #tpu.memory_space<vmem>>) offsets(%dma_start3A_58 : memref<128xi32, #tpu.memory_space<vmem>>) semaphore(%arg14 : memref<!tpu.dma_semaphore, #tpu.memory_space<semaphore_mem>>)
    %dma_start3A_61 = arith.constant 1 : i32
    %dma_start3A_62 = arith.constant 128 : i32
    %dma_start3A_63 = arith.constant 0 : i32
    %dma_start3A_64 = tpu.memref_slice %arg9[%dma_start3A_62, %dma_start3A_63] : memref<512x32xf32, #tpu.memory_space<vmem>> -> memref<128x32xf32, #tpu.memory_space<vmem>>
    %dma_start3A_65 = arith.constant 0 : i32
    %dma_start3A_66 = tpu.memref_slice %arg7[%dma_start3A_61, %dma_start3A_65] : memref<4x128xi32, #tpu.memory_space<vmem>> -> memref<1x128xi32, #tpu.memory_space<vmem>>
    %dma_start3A_67 = tpu.memref_squeeze %dma_start3A_66 : memref<1x128xi32, #tpu.memory_space<vmem>> -> memref<128xi32, #tpu.memory_space<vmem>>
    %dma_start3A_68 = arith.constant 0 : i32
    %dma_start3A_69 = arith.constant 0 : i32
    %dma_start3A_70 = tpu.memref_slice %arg4[%dma_start3A_68, %dma_start3A_69] : memref<2000000x32xf32, #tpu.memory_space<hbm>> -> memref<2000000x32xf32, #tpu.memory_space<hbm>>
    tpu.enqueue_indirect_dma source(%dma_start3A_70 : memref<2000000x32xf32, #tpu.memory_space<hbm>>) target(%dma_start3A_64 : memref<128x32xf32, #tpu.memory_space<vmem>>) offsets(%dma_start3A_67 : memref<128xi32, #tpu.memory_space<vmem>>) semaphore(%arg14 : memref<!tpu.dma_semaphore, #tpu.memory_space<semaphore_mem>>)
    %dma_start3A_71 = arith.constant 1 : i32
    %dma_start3A_72 = arith.constant 128 : i32
    %dma_start3A_73 = arith.constant 0 : i32
    %dma_start3A_74 = tpu.memref_slice %arg10[%dma_start3A_72, %dma_start3A_73] : memref<512x32xf32, #tpu.memory_space<vmem>> -> memref<128x32xf32, #tpu.memory_space<vmem>>
    %dma_start3A_75 = arith.constant 0 : i32
    %dma_start3A_76 = tpu.memref_slice %arg8[%dma_start3A_71, %dma_start3A_75] : memref<4x128xi32, #tpu.memory_space<vmem>> -> memref<1x128xi32, #tpu.memory_space<vmem>>
    %dma_start3A_77 = tpu.memref_squeeze %dma_start3A_76 : memref<1x128xi32, #tpu.memory_space<vmem>> -> memref<128xi32, #tpu.memory_space<vmem>>
    %dma_start3A_78 = arith.constant 0 : i32
    %dma_start3A_79 = arith.constant 0 : i32
    %dma_start3A_80 = tpu.memref_slice %arg4[%dma_start3A_78, %dma_start3A_79] : memref<2000000x32xf32, #tpu.memory_space<hbm>> -> memref<2000000x32xf32, #tpu.memory_space<hbm>>
    tpu.enqueue_indirect_dma source(%dma_start3A_80 : memref<2000000x32xf32, #tpu.memory_space<hbm>>) target(%dma_start3A_74 : memref<128x32xf32, #tpu.memory_space<vmem>>) offsets(%dma_start3A_77 : memref<128xi32, #tpu.memory_space<vmem>>) semaphore(%arg14 : memref<!tpu.dma_semaphore, #tpu.memory_space<semaphore_mem>>)
    %dma_start3A_81 = arith.constant 1 : i32
    %dma_start3A_82 = arith.constant 128 : i32
    %dma_start3A_83 = tpu.memref_slice %arg11[%dma_start3A_82] : memref<512xf32, #tpu.memory_space<vmem>> -> memref<128xf32, #tpu.memory_space<vmem>>
    %dma_start3A_84 = arith.constant 0 : i32
    %dma_start3A_85 = tpu.memref_slice %arg7[%dma_start3A_81, %dma_start3A_84] : memref<4x128xi32, #tpu.memory_space<vmem>> -> memref<1x128xi32, #tpu.memory_space<vmem>>
    %dma_start3A_86 = tpu.memref_squeeze %dma_start3A_85 : memref<1x128xi32, #tpu.memory_space<vmem>> -> memref<128xi32, #tpu.memory_space<vmem>>
    %dma_start3A_87 = arith.constant 0 : i32
    %dma_start3A_88 = tpu.memref_slice %arg5[%dma_start3A_87] : memref<2000000xf32, #tpu.memory_space<hbm>> -> memref<2000000xf32, #tpu.memory_space<hbm>>
    tpu.enqueue_indirect_dma source(%dma_start3A_88 : memref<2000000xf32, #tpu.memory_space<hbm>>) target(%dma_start3A_83 : memref<128xf32, #tpu.memory_space<vmem>>) offsets(%dma_start3A_86 : memref<128xi32, #tpu.memory_space<vmem>>) semaphore(%arg14 : memref<!tpu.dma_semaphore, #tpu.memory_space<semaphore_mem>>)
    %dma_start3A_89 = arith.constant 1 : i32
    %dma_start3A_90 = arith.constant 128 : i32
    %dma_start3A_91 = tpu.memref_slice %arg12[%dma_start3A_90] : memref<512xf32, #tpu.memory_space<vmem>> -> memref<128xf32, #tpu.memory_space<vmem>>
    %dma_start3A_92 = arith.constant 0 : i32
    %dma_start3A_93 = tpu.memref_slice %arg8[%dma_start3A_89, %dma_start3A_92] : memref<4x128xi32, #tpu.memory_space<vmem>> -> memref<1x128xi32, #tpu.memory_space<vmem>>
    %dma_start3A_94 = tpu.memref_squeeze %dma_start3A_93 : memref<1x128xi32, #tpu.memory_space<vmem>> -> memref<128xi32, #tpu.memory_space<vmem>>
    %dma_start3A_95 = arith.constant 0 : i32
    %dma_start3A_96 = tpu.memref_slice %arg5[%dma_start3A_95] : memref<2000000xf32, #tpu.memory_space<hbm>> -> memref<2000000xf32, #tpu.memory_space<hbm>>
    tpu.enqueue_indirect_dma source(%dma_start3A_96 : memref<2000000xf32, #tpu.memory_space<hbm>>) target(%dma_start3A_91 : memref<128xf32, #tpu.memory_space<vmem>>) offsets(%dma_start3A_94 : memref<128xi32, #tpu.memory_space<vmem>>) semaphore(%arg14 : memref<!tpu.dma_semaphore, #tpu.memory_space<semaphore_mem>>)
    %dma_start3A_97 = arith.constant 2 : i32
    %dma_start3A_98 = arith.constant 256 : i32
    %dma_start3A_99 = arith.constant 0 : i32
    %dma_start3A_100 = tpu.memref_slice %arg9[%dma_start3A_98, %dma_start3A_99] : memref<512x32xf32, #tpu.memory_space<vmem>> -> memref<128x32xf32, #tpu.memory_space<vmem>>
    %dma_start3A_101 = arith.constant 0 : i32
    %dma_start3A_102 = tpu.memref_slice %arg7[%dma_start3A_97, %dma_start3A_101] : memref<4x128xi32, #tpu.memory_space<vmem>> -> memref<1x128xi32, #tpu.memory_space<vmem>>
    %dma_start3A_103 = tpu.memref_squeeze %dma_start3A_102 : memref<1x128xi32, #tpu.memory_space<vmem>> -> memref<128xi32, #tpu.memory_space<vmem>>
    %dma_start3A_104 = arith.constant 0 : i32
    %dma_start3A_105 = arith.constant 0 : i32
    %dma_start3A_106 = tpu.memref_slice %arg4[%dma_start3A_104, %dma_start3A_105] : memref<2000000x32xf32, #tpu.memory_space<hbm>> -> memref<2000000x32xf32, #tpu.memory_space<hbm>>
    tpu.enqueue_indirect_dma source(%dma_start3A_106 : memref<2000000x32xf32, #tpu.memory_space<hbm>>) target(%dma_start3A_100 : memref<128x32xf32, #tpu.memory_space<vmem>>) offsets(%dma_start3A_103 : memref<128xi32, #tpu.memory_space<vmem>>) semaphore(%arg14 : memref<!tpu.dma_semaphore, #tpu.memory_space<semaphore_mem>>)
    %dma_start3A_107 = arith.constant 2 : i32
    %dma_start3A_108 = arith.constant 256 : i32
    %dma_start3A_109 = arith.constant 0 : i32
    %dma_start3A_110 = tpu.memref_slice %arg10[%dma_start3A_108, %dma_start3A_109] : memref<512x32xf32, #tpu.memory_space<vmem>> -> memref<128x32xf32, #tpu.memory_space<vmem>>
    %dma_start3A_111 = arith.constant 0 : i32
    %dma_start3A_112 = tpu.memref_slice %arg8[%dma_start3A_107, %dma_start3A_111] : memref<4x128xi32, #tpu.memory_space<vmem>> -> memref<1x128xi32, #tpu.memory_space<vmem>>
    %dma_start3A_113 = tpu.memref_squeeze %dma_start3A_112 : memref<1x128xi32, #tpu.memory_space<vmem>> -> memref<128xi32, #tpu.memory_space<vmem>>
    %dma_start3A_114 = arith.constant 0 : i32
    %dma_start3A_115 = arith.constant 0 : i32
    %dma_start3A_116 = tpu.memref_slice %arg4[%dma_start3A_114, %dma_start3A_115] : memref<2000000x32xf32, #tpu.memory_space<hbm>> -> memref<2000000x32xf32, #tpu.memory_space<hbm>>
    tpu.enqueue_indirect_dma source(%dma_start3A_116 : memref<2000000x32xf32, #tpu.memory_space<hbm>>) target(%dma_start3A_110 : memref<128x32xf32, #tpu.memory_space<vmem>>) offsets(%dma_start3A_113 : memref<128xi32, #tpu.memory_space<vmem>>) semaphore(%arg14 : memref<!tpu.dma_semaphore, #tpu.memory_space<semaphore_mem>>)
    %dma_start3A_117 = arith.constant 2 : i32
    %dma_start3A_118 = arith.constant 256 : i32
    %dma_start3A_119 = tpu.memref_slice %arg11[%dma_start3A_118] : memref<512xf32, #tpu.memory_space<vmem>> -> memref<128xf32, #tpu.memory_space<vmem>>
    %dma_start3A_120 = arith.constant 0 : i32
    %dma_start3A_121 = tpu.memref_slice %arg7[%dma_start3A_117, %dma_start3A_120] : memref<4x128xi32, #tpu.memory_space<vmem>> -> memref<1x128xi32, #tpu.memory_space<vmem>>
    %dma_start3A_122 = tpu.memref_squeeze %dma_start3A_121 : memref<1x128xi32, #tpu.memory_space<vmem>> -> memref<128xi32, #tpu.memory_space<vmem>>
    %dma_start3A_123 = arith.constant 0 : i32
    %dma_start3A_124 = tpu.memref_slice %arg5[%dma_start3A_123] : memref<2000000xf32, #tpu.memory_space<hbm>> -> memref<2000000xf32, #tpu.memory_space<hbm>>
    tpu.enqueue_indirect_dma source(%dma_start3A_124 : memref<2000000xf32, #tpu.memory_space<hbm>>) target(%dma_start3A_119 : memref<128xf32, #tpu.memory_space<vmem>>) offsets(%dma_start3A_122 : memref<128xi32, #tpu.memory_space<vmem>>) semaphore(%arg14 : memref<!tpu.dma_semaphore, #tpu.memory_space<semaphore_mem>>)
    %dma_start3A_125 = arith.constant 2 : i32
    %dma_start3A_126 = arith.constant 256 : i32
    %dma_start3A_127 = tpu.memref_slice %arg12[%dma_start3A_126] : memref<512xf32, #tpu.memory_space<vmem>> -> memref<128xf32, #tpu.memory_space<vmem>>
    %dma_start3A_128 = arith.constant 0 : i32
    %dma_start3A_129 = tpu.memref_slice %arg8[%dma_start3A_125, %dma_start3A_128] : memref<4x128xi32, #tpu.memory_space<vmem>> -> memref<1x128xi32, #tpu.memory_space<vmem>>
    %dma_start3A_130 = tpu.memref_squeeze %dma_start3A_129 : memref<1x128xi32, #tpu.memory_space<vmem>> -> memref<128xi32, #tpu.memory_space<vmem>>
    %dma_start3A_131 = arith.constant 0 : i32
    %dma_start3A_132 = tpu.memref_slice %arg5[%dma_start3A_131] : memref<2000000xf32, #tpu.memory_space<hbm>> -> memref<2000000xf32, #tpu.memory_space<hbm>>
    tpu.enqueue_indirect_dma source(%dma_start3A_132 : memref<2000000xf32, #tpu.memory_space<hbm>>) target(%dma_start3A_127 : memref<128xf32, #tpu.memory_space<vmem>>) offsets(%dma_start3A_130 : memref<128xi32, #tpu.memory_space<vmem>>) semaphore(%arg14 : memref<!tpu.dma_semaphore, #tpu.memory_space<semaphore_mem>>)
    %dma_start3A_133 = arith.constant 3 : i32
    %dma_start3A_134 = arith.constant 384 : i32
    %dma_start3A_135 = arith.constant 0 : i32
    %dma_start3A_136 = tpu.memref_slice %arg9[%dma_start3A_134, %dma_start3A_135] : memref<512x32xf32, #tpu.memory_space<vmem>> -> memref<128x32xf32, #tpu.memory_space<vmem>>
    %dma_start3A_137 = arith.constant 0 : i32
    %dma_start3A_138 = tpu.memref_slice %arg7[%dma_start3A_133, %dma_start3A_137] : memref<4x128xi32, #tpu.memory_space<vmem>> -> memref<1x128xi32, #tpu.memory_space<vmem>>
    %dma_start3A_139 = tpu.memref_squeeze %dma_start3A_138 : memref<1x128xi32, #tpu.memory_space<vmem>> -> memref<128xi32, #tpu.memory_space<vmem>>
    %dma_start3A_140 = arith.constant 0 : i32
    %dma_start3A_141 = arith.constant 0 : i32
    %dma_start3A_142 = tpu.memref_slice %arg4[%dma_start3A_140, %dma_start3A_141] : memref<2000000x32xf32, #tpu.memory_space<hbm>> -> memref<2000000x32xf32, #tpu.memory_space<hbm>>
    tpu.enqueue_indirect_dma source(%dma_start3A_142 : memref<2000000x32xf32, #tpu.memory_space<hbm>>) target(%dma_start3A_136 : memref<128x32xf32, #tpu.memory_space<vmem>>) offsets(%dma_start3A_139 : memref<128xi32, #tpu.memory_space<vmem>>) semaphore(%arg14 : memref<!tpu.dma_semaphore, #tpu.memory_space<semaphore_mem>>)
    %dma_start3A_143 = arith.constant 3 : i32
    %dma_start3A_144 = arith.constant 384 : i32
    %dma_start3A_145 = arith.constant 0 : i32
    %dma_start3A_146 = tpu.memref_slice %arg10[%dma_start3A_144, %dma_start3A_145] : memref<512x32xf32, #tpu.memory_space<vmem>> -> memref<128x32xf32, #tpu.memory_space<vmem>>
    %dma_start3A_147 = arith.constant 0 : i32
    %dma_start3A_148 = tpu.memref_slice %arg8[%dma_start3A_143, %dma_start3A_147] : memref<4x128xi32, #tpu.memory_space<vmem>> -> memref<1x128xi32, #tpu.memory_space<vmem>>
    %dma_start3A_149 = tpu.memref_squeeze %dma_start3A_148 : memref<1x128xi32, #tpu.memory_space<vmem>> -> memref<128xi32, #tpu.memory_space<vmem>>
    %dma_start3A_150 = arith.constant 0 : i32
    %dma_start3A_151 = arith.constant 0 : i32
    %dma_start3A_152 = tpu.memref_slice %arg4[%dma_start3A_150, %dma_start3A_151] : memref<2000000x32xf32, #tpu.memory_space<hbm>> -> memref<2000000x32xf32, #tpu.memory_space<hbm>>
    tpu.enqueue_indirect_dma source(%dma_start3A_152 : memref<2000000x32xf32, #tpu.memory_space<hbm>>) target(%dma_start3A_146 : memref<128x32xf32, #tpu.memory_space<vmem>>) offsets(%dma_start3A_149 : memref<128xi32, #tpu.memory_space<vmem>>) semaphore(%arg14 : memref<!tpu.dma_semaphore, #tpu.memory_space<semaphore_mem>>)
    %dma_start3A_153 = arith.constant 3 : i32
    %dma_start3A_154 = arith.constant 384 : i32
    %dma_start3A_155 = tpu.memref_slice %arg11[%dma_start3A_154] : memref<512xf32, #tpu.memory_space<vmem>> -> memref<128xf32, #tpu.memory_space<vmem>>
    %dma_start3A_156 = arith.constant 0 : i32
    %dma_start3A_157 = tpu.memref_slice %arg7[%dma_start3A_153, %dma_start3A_156] : memref<4x128xi32, #tpu.memory_space<vmem>> -> memref<1x128xi32, #tpu.memory_space<vmem>>
    %dma_start3A_158 = tpu.memref_squeeze %dma_start3A_157 : memref<1x128xi32, #tpu.memory_space<vmem>> -> memref<128xi32, #tpu.memory_space<vmem>>
    %dma_start3A_159 = arith.constant 0 : i32
    %dma_start3A_160 = tpu.memref_slice %arg5[%dma_start3A_159] : memref<2000000xf32, #tpu.memory_space<hbm>> -> memref<2000000xf32, #tpu.memory_space<hbm>>
    tpu.enqueue_indirect_dma source(%dma_start3A_160 : memref<2000000xf32, #tpu.memory_space<hbm>>) target(%dma_start3A_155 : memref<128xf32, #tpu.memory_space<vmem>>) offsets(%dma_start3A_158 : memref<128xi32, #tpu.memory_space<vmem>>) semaphore(%arg14 : memref<!tpu.dma_semaphore, #tpu.memory_space<semaphore_mem>>)
    %dma_start3A_161 = arith.constant 3 : i32
    %dma_start3A_162 = arith.constant 384 : i32
    %dma_start3A_163 = tpu.memref_slice %arg12[%dma_start3A_162] : memref<512xf32, #tpu.memory_space<vmem>> -> memref<128xf32, #tpu.memory_space<vmem>>
    %dma_start3A_164 = arith.constant 0 : i32
    %dma_start3A_165 = tpu.memref_slice %arg8[%dma_start3A_161, %dma_start3A_164] : memref<4x128xi32, #tpu.memory_space<vmem>> -> memref<1x128xi32, #tpu.memory_space<vmem>>
    %dma_start3A_166 = tpu.memref_squeeze %dma_start3A_165 : memref<1x128xi32, #tpu.memory_space<vmem>> -> memref<128xi32, #tpu.memory_space<vmem>>
    %dma_start3A_167 = arith.constant 0 : i32
    %dma_start3A_168 = tpu.memref_slice %arg5[%dma_start3A_167] : memref<2000000xf32, #tpu.memory_space<hbm>> -> memref<2000000xf32, #tpu.memory_space<hbm>>
    tpu.enqueue_indirect_dma source(%dma_start3A_168 : memref<2000000xf32, #tpu.memory_space<hbm>>) target(%dma_start3A_163 : memref<128xf32, #tpu.memory_space<vmem>>) offsets(%dma_start3A_166 : memref<128xi32, #tpu.memory_space<vmem>>) semaphore(%arg14 : memref<!tpu.dma_semaphore, #tpu.memory_space<semaphore_mem>>)
    %dma_wait3A = arith.constant 0 : i32
    %dma_wait3A_169 = arith.constant 0 : i32
    %dma_wait3A_170 = arith.constant 0 : i32
    %dma_wait3A_171 = tpu.memref_slice %arg9[%dma_wait3A_169, %dma_wait3A_170] : memref<512x32xf32, #tpu.memory_space<vmem>> -> memref<128x32xf32, #tpu.memory_space<vmem>>
    %dma_wait3A_172 = arith.constant 0 : i32
    %dma_wait3A_173 = tpu.memref_slice %arg7[%dma_wait3A, %dma_wait3A_172] : memref<4x128xi32, #tpu.memory_space<vmem>> -> memref<1x128xi32, #tpu.memory_space<vmem>>
    %dma_wait3A_174 = tpu.memref_squeeze %dma_wait3A_173 : memref<1x128xi32, #tpu.memory_space<vmem>> -> memref<128xi32, #tpu.memory_space<vmem>>
    %dma_wait3A_175 = arith.constant 0 : i32
    %dma_wait3A_176 = arith.constant 0 : i32
    %dma_wait3A_177 = tpu.memref_slice %arg4[%dma_wait3A_175, %dma_wait3A_176] : memref<2000000x32xf32, #tpu.memory_space<hbm>> -> memref<2000000x32xf32, #tpu.memory_space<hbm>>
    tpu.wait_indirect_dma semaphore(%arg14 : memref<!tpu.dma_semaphore, #tpu.memory_space<semaphore_mem>>) src(%dma_wait3A_177 : memref<2000000x32xf32, #tpu.memory_space<hbm>>) dst(%dma_wait3A_171 : memref<128x32xf32, #tpu.memory_space<vmem>>)
    %dma_wait3A_178 = arith.constant 0 : i32
    %dma_wait3A_179 = arith.constant 0 : i32
    %dma_wait3A_180 = arith.constant 0 : i32
    %dma_wait3A_181 = tpu.memref_slice %arg10[%dma_wait3A_179, %dma_wait3A_180] : memref<512x32xf32, #tpu.memory_space<vmem>> -> memref<128x32xf32, #tpu.memory_space<vmem>>
    %dma_wait3A_182 = arith.constant 0 : i32
    %dma_wait3A_183 = tpu.memref_slice %arg8[%dma_wait3A_178, %dma_wait3A_182] : memref<4x128xi32, #tpu.memory_space<vmem>> -> memref<1x128xi32, #tpu.memory_space<vmem>>
    %dma_wait3A_184 = tpu.memref_squeeze %dma_wait3A_183 : memref<1x128xi32, #tpu.memory_space<vmem>> -> memref<128xi32, #tpu.memory_space<vmem>>
    %dma_wait3A_185 = arith.constant 0 : i32
    %dma_wait3A_186 = arith.constant 0 : i32
    %dma_wait3A_187 = tpu.memref_slice %arg4[%dma_wait3A_185, %dma_wait3A_186] : memref<2000000x32xf32, #tpu.memory_space<hbm>> -> memref<2000000x32xf32, #tpu.memory_space<hbm>>
    tpu.wait_indirect_dma semaphore(%arg14 : memref<!tpu.dma_semaphore, #tpu.memory_space<semaphore_mem>>) src(%dma_wait3A_187 : memref<2000000x32xf32, #tpu.memory_space<hbm>>) dst(%dma_wait3A_181 : memref<128x32xf32, #tpu.memory_space<vmem>>)
    %dma_wait3A_188 = arith.constant 0 : i32
    %dma_wait3A_189 = arith.constant 0 : i32
    %dma_wait3A_190 = tpu.memref_slice %arg11[%dma_wait3A_189] : memref<512xf32, #tpu.memory_space<vmem>> -> memref<128xf32, #tpu.memory_space<vmem>>
    %dma_wait3A_191 = arith.constant 0 : i32
    %dma_wait3A_192 = tpu.memref_slice %arg7[%dma_wait3A_188, %dma_wait3A_191] : memref<4x128xi32, #tpu.memory_space<vmem>> -> memref<1x128xi32, #tpu.memory_space<vmem>>
    %dma_wait3A_193 = tpu.memref_squeeze %dma_wait3A_192 : memref<1x128xi32, #tpu.memory_space<vmem>> -> memref<128xi32, #tpu.memory_space<vmem>>
    %dma_wait3A_194 = arith.constant 0 : i32
    %dma_wait3A_195 = tpu.memref_slice %arg5[%dma_wait3A_194] : memref<2000000xf32, #tpu.memory_space<hbm>> -> memref<2000000xf32, #tpu.memory_space<hbm>>
    tpu.wait_indirect_dma semaphore(%arg14 : memref<!tpu.dma_semaphore, #tpu.memory_space<semaphore_mem>>) src(%dma_wait3A_195 : memref<2000000xf32, #tpu.memory_space<hbm>>) dst(%dma_wait3A_190 : memref<128xf32, #tpu.memory_space<vmem>>)
    %dma_wait3A_196 = arith.constant 0 : i32
    %dma_wait3A_197 = arith.constant 0 : i32
    %dma_wait3A_198 = tpu.memref_slice %arg12[%dma_wait3A_197] : memref<512xf32, #tpu.memory_space<vmem>> -> memref<128xf32, #tpu.memory_space<vmem>>
    %dma_wait3A_199 = arith.constant 0 : i32
    %dma_wait3A_200 = tpu.memref_slice %arg8[%dma_wait3A_196, %dma_wait3A_199] : memref<4x128xi32, #tpu.memory_space<vmem>> -> memref<1x128xi32, #tpu.memory_space<vmem>>
    %dma_wait3A_201 = tpu.memref_squeeze %dma_wait3A_200 : memref<1x128xi32, #tpu.memory_space<vmem>> -> memref<128xi32, #tpu.memory_space<vmem>>
    %dma_wait3A_202 = arith.constant 0 : i32
    %dma_wait3A_203 = tpu.memref_slice %arg5[%dma_wait3A_202] : memref<2000000xf32, #tpu.memory_space<hbm>> -> memref<2000000xf32, #tpu.memory_space<hbm>>
    tpu.wait_indirect_dma semaphore(%arg14 : memref<!tpu.dma_semaphore, #tpu.memory_space<semaphore_mem>>) src(%dma_wait3A_203 : memref<2000000xf32, #tpu.memory_space<hbm>>) dst(%dma_wait3A_198 : memref<128xf32, #tpu.memory_space<vmem>>)
    %dma_wait3A_204 = arith.constant 1 : i32
    %dma_wait3A_205 = arith.constant 128 : i32
    %dma_wait3A_206 = arith.constant 0 : i32
    %dma_wait3A_207 = tpu.memref_slice %arg9[%dma_wait3A_205, %dma_wait3A_206] : memref<512x32xf32, #tpu.memory_space<vmem>> -> memref<128x32xf32, #tpu.memory_space<vmem>>
    %dma_wait3A_208 = arith.constant 0 : i32
    %dma_wait3A_209 = tpu.memref_slice %arg7[%dma_wait3A_204, %dma_wait3A_208] : memref<4x128xi32, #tpu.memory_space<vmem>> -> memref<1x128xi32, #tpu.memory_space<vmem>>
    %dma_wait3A_210 = tpu.memref_squeeze %dma_wait3A_209 : memref<1x128xi32, #tpu.memory_space<vmem>> -> memref<128xi32, #tpu.memory_space<vmem>>
    %dma_wait3A_211 = arith.constant 0 : i32
    %dma_wait3A_212 = arith.constant 0 : i32
    %dma_wait3A_213 = tpu.memref_slice %arg4[%dma_wait3A_211, %dma_wait3A_212] : memref<2000000x32xf32, #tpu.memory_space<hbm>> -> memref<2000000x32xf32, #tpu.memory_space<hbm>>
    tpu.wait_indirect_dma semaphore(%arg14 : memref<!tpu.dma_semaphore, #tpu.memory_space<semaphore_mem>>) src(%dma_wait3A_213 : memref<2000000x32xf32, #tpu.memory_space<hbm>>) dst(%dma_wait3A_207 : memref<128x32xf32, #tpu.memory_space<vmem>>)
    %dma_wait3A_214 = arith.constant 1 : i32
    %dma_wait3A_215 = arith.constant 128 : i32
    %dma_wait3A_216 = arith.constant 0 : i32
    %dma_wait3A_217 = tpu.memref_slice %arg10[%dma_wait3A_215, %dma_wait3A_216] : memref<512x32xf32, #tpu.memory_space<vmem>> -> memref<128x32xf32, #tpu.memory_space<vmem>>
    %dma_wait3A_218 = arith.constant 0 : i32
    %dma_wait3A_219 = tpu.memref_slice %arg8[%dma_wait3A_214, %dma_wait3A_218] : memref<4x128xi32, #tpu.memory_space<vmem>> -> memref<1x128xi32, #tpu.memory_space<vmem>>
    %dma_wait3A_220 = tpu.memref_squeeze %dma_wait3A_219 : memref<1x128xi32, #tpu.memory_space<vmem>> -> memref<128xi32, #tpu.memory_space<vmem>>
    %dma_wait3A_221 = arith.constant 0 : i32
    %dma_wait3A_222 = arith.constant 0 : i32
    %dma_wait3A_223 = tpu.memref_slice %arg4[%dma_wait3A_221, %dma_wait3A_222] : memref<2000000x32xf32, #tpu.memory_space<hbm>> -> memref<2000000x32xf32, #tpu.memory_space<hbm>>
    tpu.wait_indirect_dma semaphore(%arg14 : memref<!tpu.dma_semaphore, #tpu.memory_space<semaphore_mem>>) src(%dma_wait3A_223 : memref<2000000x32xf32, #tpu.memory_space<hbm>>) dst(%dma_wait3A_217 : memref<128x32xf32, #tpu.memory_space<vmem>>)
    %dma_wait3A_224 = arith.constant 1 : i32
    %dma_wait3A_225 = arith.constant 128 : i32
    %dma_wait3A_226 = tpu.memref_slice %arg11[%dma_wait3A_225] : memref<512xf32, #tpu.memory_space<vmem>> -> memref<128xf32, #tpu.memory_space<vmem>>
    %dma_wait3A_227 = arith.constant 0 : i32
    %dma_wait3A_228 = tpu.memref_slice %arg7[%dma_wait3A_224, %dma_wait3A_227] : memref<4x128xi32, #tpu.memory_space<vmem>> -> memref<1x128xi32, #tpu.memory_space<vmem>>
    %dma_wait3A_229 = tpu.memref_squeeze %dma_wait3A_228 : memref<1x128xi32, #tpu.memory_space<vmem>> -> memref<128xi32, #tpu.memory_space<vmem>>
    %dma_wait3A_230 = arith.constant 0 : i32
    %dma_wait3A_231 = tpu.memref_slice %arg5[%dma_wait3A_230] : memref<2000000xf32, #tpu.memory_space<hbm>> -> memref<2000000xf32, #tpu.memory_space<hbm>>
    tpu.wait_indirect_dma semaphore(%arg14 : memref<!tpu.dma_semaphore, #tpu.memory_space<semaphore_mem>>) src(%dma_wait3A_231 : memref<2000000xf32, #tpu.memory_space<hbm>>) dst(%dma_wait3A_226 : memref<128xf32, #tpu.memory_space<vmem>>)
    %dma_wait3A_232 = arith.constant 1 : i32
    %dma_wait3A_233 = arith.constant 128 : i32
    %dma_wait3A_234 = tpu.memref_slice %arg12[%dma_wait3A_233] : memref<512xf32, #tpu.memory_space<vmem>> -> memref<128xf32, #tpu.memory_space<vmem>>
    %dma_wait3A_235 = arith.constant 0 : i32
    %dma_wait3A_236 = tpu.memref_slice %arg8[%dma_wait3A_232, %dma_wait3A_235] : memref<4x128xi32, #tpu.memory_space<vmem>> -> memref<1x128xi32, #tpu.memory_space<vmem>>
    %dma_wait3A_237 = tpu.memref_squeeze %dma_wait3A_236 : memref<1x128xi32, #tpu.memory_space<vmem>> -> memref<128xi32, #tpu.memory_space<vmem>>
    %dma_wait3A_238 = arith.constant 0 : i32
    %dma_wait3A_239 = tpu.memref_slice %arg5[%dma_wait3A_238] : memref<2000000xf32, #tpu.memory_space<hbm>> -> memref<2000000xf32, #tpu.memory_space<hbm>>
    tpu.wait_indirect_dma semaphore(%arg14 : memref<!tpu.dma_semaphore, #tpu.memory_space<semaphore_mem>>) src(%dma_wait3A_239 : memref<2000000xf32, #tpu.memory_space<hbm>>) dst(%dma_wait3A_234 : memref<128xf32, #tpu.memory_space<vmem>>)
    %dma_wait3A_240 = arith.constant 2 : i32
    %dma_wait3A_241 = arith.constant 256 : i32
    %dma_wait3A_242 = arith.constant 0 : i32
    %dma_wait3A_243 = tpu.memref_slice %arg9[%dma_wait3A_241, %dma_wait3A_242] : memref<512x32xf32, #tpu.memory_space<vmem>> -> memref<128x32xf32, #tpu.memory_space<vmem>>
    %dma_wait3A_244 = arith.constant 0 : i32
    %dma_wait3A_245 = tpu.memref_slice %arg7[%dma_wait3A_240, %dma_wait3A_244] : memref<4x128xi32, #tpu.memory_space<vmem>> -> memref<1x128xi32, #tpu.memory_space<vmem>>
    %dma_wait3A_246 = tpu.memref_squeeze %dma_wait3A_245 : memref<1x128xi32, #tpu.memory_space<vmem>> -> memref<128xi32, #tpu.memory_space<vmem>>
    %dma_wait3A_247 = arith.constant 0 : i32
    %dma_wait3A_248 = arith.constant 0 : i32
    %dma_wait3A_249 = tpu.memref_slice %arg4[%dma_wait3A_247, %dma_wait3A_248] : memref<2000000x32xf32, #tpu.memory_space<hbm>> -> memref<2000000x32xf32, #tpu.memory_space<hbm>>
    tpu.wait_indirect_dma semaphore(%arg14 : memref<!tpu.dma_semaphore, #tpu.memory_space<semaphore_mem>>) src(%dma_wait3A_249 : memref<2000000x32xf32, #tpu.memory_space<hbm>>) dst(%dma_wait3A_243 : memref<128x32xf32, #tpu.memory_space<vmem>>)
    %dma_wait3A_250 = arith.constant 2 : i32
    %dma_wait3A_251 = arith.constant 256 : i32
    %dma_wait3A_252 = arith.constant 0 : i32
    %dma_wait3A_253 = tpu.memref_slice %arg10[%dma_wait3A_251, %dma_wait3A_252] : memref<512x32xf32, #tpu.memory_space<vmem>> -> memref<128x32xf32, #tpu.memory_space<vmem>>
    %dma_wait3A_254 = arith.constant 0 : i32
    %dma_wait3A_255 = tpu.memref_slice %arg8[%dma_wait3A_250, %dma_wait3A_254] : memref<4x128xi32, #tpu.memory_space<vmem>> -> memref<1x128xi32, #tpu.memory_space<vmem>>
    %dma_wait3A_256 = tpu.memref_squeeze %dma_wait3A_255 : memref<1x128xi32, #tpu.memory_space<vmem>> -> memref<128xi32, #tpu.memory_space<vmem>>
    %dma_wait3A_257 = arith.constant 0 : i32
    %dma_wait3A_258 = arith.constant 0 : i32
    %dma_wait3A_259 = tpu.memref_slice %arg4[%dma_wait3A_257, %dma_wait3A_258] : memref<2000000x32xf32, #tpu.memory_space<hbm>> -> memref<2000000x32xf32, #tpu.memory_space<hbm>>
    tpu.wait_indirect_dma semaphore(%arg14 : memref<!tpu.dma_semaphore, #tpu.memory_space<semaphore_mem>>) src(%dma_wait3A_259 : memref<2000000x32xf32, #tpu.memory_space<hbm>>) dst(%dma_wait3A_253 : memref<128x32xf32, #tpu.memory_space<vmem>>)
    %dma_wait3A_260 = arith.constant 2 : i32
    %dma_wait3A_261 = arith.constant 256 : i32
    %dma_wait3A_262 = tpu.memref_slice %arg11[%dma_wait3A_261] : memref<512xf32, #tpu.memory_space<vmem>> -> memref<128xf32, #tpu.memory_space<vmem>>
    %dma_wait3A_263 = arith.constant 0 : i32
    %dma_wait3A_264 = tpu.memref_slice %arg7[%dma_wait3A_260, %dma_wait3A_263] : memref<4x128xi32, #tpu.memory_space<vmem>> -> memref<1x128xi32, #tpu.memory_space<vmem>>
    %dma_wait3A_265 = tpu.memref_squeeze %dma_wait3A_264 : memref<1x128xi32, #tpu.memory_space<vmem>> -> memref<128xi32, #tpu.memory_space<vmem>>
    %dma_wait3A_266 = arith.constant 0 : i32
    %dma_wait3A_267 = tpu.memref_slice %arg5[%dma_wait3A_266] : memref<2000000xf32, #tpu.memory_space<hbm>> -> memref<2000000xf32, #tpu.memory_space<hbm>>
    tpu.wait_indirect_dma semaphore(%arg14 : memref<!tpu.dma_semaphore, #tpu.memory_space<semaphore_mem>>) src(%dma_wait3A_267 : memref<2000000xf32, #tpu.memory_space<hbm>>) dst(%dma_wait3A_262 : memref<128xf32, #tpu.memory_space<vmem>>)
    %dma_wait3A_268 = arith.constant 2 : i32
    %dma_wait3A_269 = arith.constant 256 : i32
    %dma_wait3A_270 = tpu.memref_slice %arg12[%dma_wait3A_269] : memref<512xf32, #tpu.memory_space<vmem>> -> memref<128xf32, #tpu.memory_space<vmem>>
    %dma_wait3A_271 = arith.constant 0 : i32
    %dma_wait3A_272 = tpu.memref_slice %arg8[%dma_wait3A_268, %dma_wait3A_271] : memref<4x128xi32, #tpu.memory_space<vmem>> -> memref<1x128xi32, #tpu.memory_space<vmem>>
    %dma_wait3A_273 = tpu.memref_squeeze %dma_wait3A_272 : memref<1x128xi32, #tpu.memory_space<vmem>> -> memref<128xi32, #tpu.memory_space<vmem>>
    %dma_wait3A_274 = arith.constant 0 : i32
    %dma_wait3A_275 = tpu.memref_slice %arg5[%dma_wait3A_274] : memref<2000000xf32, #tpu.memory_space<hbm>> -> memref<2000000xf32, #tpu.memory_space<hbm>>
    tpu.wait_indirect_dma semaphore(%arg14 : memref<!tpu.dma_semaphore, #tpu.memory_space<semaphore_mem>>) src(%dma_wait3A_275 : memref<2000000xf32, #tpu.memory_space<hbm>>) dst(%dma_wait3A_270 : memref<128xf32, #tpu.memory_space<vmem>>)
    %dma_wait3A_276 = arith.constant 3 : i32
    %dma_wait3A_277 = arith.constant 384 : i32
    %dma_wait3A_278 = arith.constant 0 : i32
    %dma_wait3A_279 = tpu.memref_slice %arg9[%dma_wait3A_277, %dma_wait3A_278] : memref<512x32xf32, #tpu.memory_space<vmem>> -> memref<128x32xf32, #tpu.memory_space<vmem>>
    %dma_wait3A_280 = arith.constant 0 : i32
    %dma_wait3A_281 = tpu.memref_slice %arg7[%dma_wait3A_276, %dma_wait3A_280] : memref<4x128xi32, #tpu.memory_space<vmem>> -> memref<1x128xi32, #tpu.memory_space<vmem>>
    %dma_wait3A_282 = tpu.memref_squeeze %dma_wait3A_281 : memref<1x128xi32, #tpu.memory_space<vmem>> -> memref<128xi32, #tpu.memory_space<vmem>>
    %dma_wait3A_283 = arith.constant 0 : i32
    %dma_wait3A_284 = arith.constant 0 : i32
    %dma_wait3A_285 = tpu.memref_slice %arg4[%dma_wait3A_283, %dma_wait3A_284] : memref<2000000x32xf32, #tpu.memory_space<hbm>> -> memref<2000000x32xf32, #tpu.memory_space<hbm>>
    tpu.wait_indirect_dma semaphore(%arg14 : memref<!tpu.dma_semaphore, #tpu.memory_space<semaphore_mem>>) src(%dma_wait3A_285 : memref<2000000x32xf32, #tpu.memory_space<hbm>>) dst(%dma_wait3A_279 : memref<128x32xf32, #tpu.memory_space<vmem>>)
    %dma_wait3A_286 = arith.constant 3 : i32
    %dma_wait3A_287 = arith.constant 384 : i32
    %dma_wait3A_288 = arith.constant 0 : i32
    %dma_wait3A_289 = tpu.memref_slice %arg10[%dma_wait3A_287, %dma_wait3A_288] : memref<512x32xf32, #tpu.memory_space<vmem>> -> memref<128x32xf32, #tpu.memory_space<vmem>>
    %dma_wait3A_290 = arith.constant 0 : i32
    %dma_wait3A_291 = tpu.memref_slice %arg8[%dma_wait3A_286, %dma_wait3A_290] : memref<4x128xi32, #tpu.memory_space<vmem>> -> memref<1x128xi32, #tpu.memory_space<vmem>>
    %dma_wait3A_292 = tpu.memref_squeeze %dma_wait3A_291 : memref<1x128xi32, #tpu.memory_space<vmem>> -> memref<128xi32, #tpu.memory_space<vmem>>
    %dma_wait3A_293 = arith.constant 0 : i32
    %dma_wait3A_294 = arith.constant 0 : i32
    %dma_wait3A_295 = tpu.memref_slice %arg4[%dma_wait3A_293, %dma_wait3A_294] : memref<2000000x32xf32, #tpu.memory_space<hbm>> -> memref<2000000x32xf32, #tpu.memory_space<hbm>>
    tpu.wait_indirect_dma semaphore(%arg14 : memref<!tpu.dma_semaphore, #tpu.memory_space<semaphore_mem>>) src(%dma_wait3A_295 : memref<2000000x32xf32, #tpu.memory_space<hbm>>) dst(%dma_wait3A_289 : memref<128x32xf32, #tpu.memory_space<vmem>>)
    %dma_wait3A_296 = arith.constant 3 : i32
    %dma_wait3A_297 = arith.constant 384 : i32
    %dma_wait3A_298 = tpu.memref_slice %arg11[%dma_wait3A_297] : memref<512xf32, #tpu.memory_space<vmem>> -> memref<128xf32, #tpu.memory_space<vmem>>
    %dma_wait3A_299 = arith.constant 0 : i32
    %dma_wait3A_300 = tpu.memref_slice %arg7[%dma_wait3A_296, %dma_wait3A_299] : memref<4x128xi32, #tpu.memory_space<vmem>> -> memref<1x128xi32, #tpu.memory_space<vmem>>
    %dma_wait3A_301 = tpu.memref_squeeze %dma_wait3A_300 : memref<1x128xi32, #tpu.memory_space<vmem>> -> memref<128xi32, #tpu.memory_space<vmem>>
    %dma_wait3A_302 = arith.constant 0 : i32
    %dma_wait3A_303 = tpu.memref_slice %arg5[%dma_wait3A_302] : memref<2000000xf32, #tpu.memory_space<hbm>> -> memref<2000000xf32, #tpu.memory_space<hbm>>
    tpu.wait_indirect_dma semaphore(%arg14 : memref<!tpu.dma_semaphore, #tpu.memory_space<semaphore_mem>>) src(%dma_wait3A_303 : memref<2000000xf32, #tpu.memory_space<hbm>>) dst(%dma_wait3A_298 : memref<128xf32, #tpu.memory_space<vmem>>)
    %dma_wait3A_304 = arith.constant 3 : i32
    %dma_wait3A_305 = arith.constant 384 : i32
    %dma_wait3A_306 = tpu.memref_slice %arg12[%dma_wait3A_305] : memref<512xf32, #tpu.memory_space<vmem>> -> memref<128xf32, #tpu.memory_space<vmem>>
    %dma_wait3A_307 = arith.constant 0 : i32
    %dma_wait3A_308 = tpu.memref_slice %arg8[%dma_wait3A_304, %dma_wait3A_307] : memref<4x128xi32, #tpu.memory_space<vmem>> -> memref<1x128xi32, #tpu.memory_space<vmem>>
    %dma_wait3A_309 = tpu.memref_squeeze %dma_wait3A_308 : memref<1x128xi32, #tpu.memory_space<vmem>> -> memref<128xi32, #tpu.memory_space<vmem>>
    %dma_wait3A_310 = arith.constant 0 : i32
    %dma_wait3A_311 = tpu.memref_slice %arg5[%dma_wait3A_310] : memref<2000000xf32, #tpu.memory_space<hbm>> -> memref<2000000xf32, #tpu.memory_space<hbm>>
    tpu.wait_indirect_dma semaphore(%arg14 : memref<!tpu.dma_semaphore, #tpu.memory_space<semaphore_mem>>) src(%dma_wait3A_311 : memref<2000000xf32, #tpu.memory_space<hbm>>) dst(%dma_wait3A_306 : memref<128xf32, #tpu.memory_space<vmem>>)
    %iota3A = tpu.iota {dimensions = array<i32: 0>} : vector<16xi32>
    %scan3A = arith.constant 0 : i32
    %scan3A_312 = arith.constant 0 : i32
    %scan3A_313 = arith.constant 32 : i32
    %scan3A_314 = arith.addi %scan3A_312, %scan3A_313 : i32
    %scan3A_315 = arith.constant 2 : i32
    scf.for %scan3A_317 = %scan3A_312 to %scan3A_314 step %scan3A_315  : i32 {
      %mul3A_318 = arith.constant 16 : i32
      %mul3A_319 = arith.muli %scan3A_317, %mul3A_318 : i32
      %add3A_320 = vector.broadcast %mul3A_319 : i32 to vector<16xi32>
      %add3A_321 = arith.addi %add3A_320, %iota3A : vector<16xi32>
      %broadcast_in_dim3A = arith.constant 0 : i32
      %broadcast_in_dim3A_322 = vector.broadcast %broadcast_in_dim3A : i32 to vector<16xi32>
      %gather3A = tpu.vector_load_idx %arg9[%add3A_321, %broadcast_in_dim3A_322] : memref<512x32xf32, #tpu.memory_space<vmem>>[vector<16xi32>, vector<16xi32>], vector<16xf32>,
      %gather3A_323 = tpu.vector_load_idx %arg10[%add3A_321, %broadcast_in_dim3A_322] : memref<512x32xf32, #tpu.memory_space<vmem>>[vector<16xi32>, vector<16xi32>], vector<16xf32>,
      %mul3A_324 = arith.mulf %gather3A, %gather3A_323 : vector<16xf32>
      %broadcast_in_dim3A_325 = arith.constant 1 : i32
      %broadcast_in_dim3A_326 = vector.broadcast %broadcast_in_dim3A_325 : i32 to vector<16xi32>
      %gather3A_327 = tpu.vector_load_idx %arg9[%add3A_321, %broadcast_in_dim3A_326] : memref<512x32xf32, #tpu.memory_space<vmem>>[vector<16xi32>, vector<16xi32>], vector<16xf32>,
      %gather3A_328 = tpu.vector_load_idx %arg10[%add3A_321, %broadcast_in_dim3A_326] : memref<512x32xf32, #tpu.memory_space<vmem>>[vector<16xi32>, vector<16xi32>], vector<16xf32>,
      %mul3A_329 = arith.mulf %gather3A_327, %gather3A_328 : vector<16xf32>
      %broadcast_in_dim3A_330 = arith.constant 2 : i32
      %broadcast_in_dim3A_331 = vector.broadcast %broadcast_in_dim3A_330 : i32 to vector<16xi32>
      %gather3A_332 = tpu.vector_load_idx %arg9[%add3A_321, %broadcast_in_dim3A_331] : memref<512x32xf32, #tpu.memory_space<vmem>>[vector<16xi32>, vector<16xi32>], vector<16xf32>,
      %gather3A_333 = tpu.vector_load_idx %arg10[%add3A_321, %broadcast_in_dim3A_331] : memref<512x32xf32, #tpu.memory_space<vmem>>[vector<16xi32>, vector<16xi32>], vector<16xf32>,
      %mul3A_334 = arith.mulf %gather3A_332, %gather3A_333 : vector<16xf32>
      %broadcast_in_dim3A_335 = arith.constant 3 : i32
      %broadcast_in_dim3A_336 = vector.broadcast %broadcast_in_dim3A_335 : i32 to vector<16xi32>
      %gather3A_337 = tpu.vector_load_idx %arg9[%add3A_321, %broadcast_in_dim3A_336] : memref<512x32xf32, #tpu.memory_space<vmem>>[vector<16xi32>, vector<16xi32>], vector<16xf32>,
      %gather3A_338 = tpu.vector_load_idx %arg10[%add3A_321, %broadcast_in_dim3A_336] : memref<512x32xf32, #tpu.memory_space<vmem>>[vector<16xi32>, vector<16xi32>], vector<16xf32>,
      %mul3A_339 = arith.mulf %gather3A_337, %gather3A_338 : vector<16xf32>
      %broadcast_in_dim3A_340 = arith.constant 4 : i32
      %broadcast_in_dim3A_341 = vector.broadcast %broadcast_in_dim3A_340 : i32 to vector<16xi32>
      %gather3A_342 = tpu.vector_load_idx %arg9[%add3A_321, %broadcast_in_dim3A_341] : memref<512x32xf32, #tpu.memory_space<vmem>>[vector<16xi32>, vector<16xi32>], vector<16xf32>,
      %gather3A_343 = tpu.vector_load_idx %arg10[%add3A_321, %broadcast_in_dim3A_341] : memref<512x32xf32, #tpu.memory_space<vmem>>[vector<16xi32>, vector<16xi32>], vector<16xf32>,
      %mul3A_344 = arith.mulf %gather3A_342, %gather3A_343 : vector<16xf32>
      %add3A_345 = arith.addf %mul3A_324, %mul3A_344 : vector<16xf32>
      %broadcast_in_dim3A_346 = arith.constant 5 : i32
      %broadcast_in_dim3A_347 = vector.broadcast %broadcast_in_dim3A_346 : i32 to vector<16xi32>
      %gather3A_348 = tpu.vector_load_idx %arg9[%add3A_321, %broadcast_in_dim3A_347] : memref<512x32xf32, #tpu.memory_space<vmem>>[vector<16xi32>, vector<16xi32>], vector<16xf32>,
      %gather3A_349 = tpu.vector_load_idx %arg10[%add3A_321, %broadcast_in_dim3A_347] : memref<512x32xf32, #tpu.memory_space<vmem>>[vector<16xi32>, vector<16xi32>], vector<16xf32>,
      %mul3A_350 = arith.mulf %gather3A_348, %gather3A_349 : vector<16xf32>
      %add3A_351 = arith.addf %mul3A_329, %mul3A_350 : vector<16xf32>
      %broadcast_in_dim3A_352 = arith.constant 6 : i32
      %broadcast_in_dim3A_353 = vector.broadcast %broadcast_in_dim3A_352 : i32 to vector<16xi32>
      %gather3A_354 = tpu.vector_load_idx %arg9[%add3A_321, %broadcast_in_dim3A_353] : memref<512x32xf32, #tpu.memory_space<vmem>>[vector<16xi32>, vector<16xi32>], vector<16xf32>,
      %gather3A_355 = tpu.vector_load_idx %arg10[%add3A_321, %broadcast_in_dim3A_353] : memref<512x32xf32, #tpu.memory_space<vmem>>[vector<16xi32>, vector<16xi32>], vector<16xf32>,
      %mul3A_356 = arith.mulf %gather3A_354, %gather3A_355 : vector<16xf32>
      %add3A_357 = arith.addf %mul3A_334, %mul3A_356 : vector<16xf32>
      %broadcast_in_dim3A_358 = arith.constant 7 : i32
      %broadcast_in_dim3A_359 = vector.broadcast %broadcast_in_dim3A_358 : i32 to vector<16xi32>
      %gather3A_360 = tpu.vector_load_idx %arg9[%add3A_321, %broadcast_in_dim3A_359] : memref<512x32xf32, #tpu.memory_space<vmem>>[vector<16xi32>, vector<16xi32>], vector<16xf32>,
      %gather3A_361 = tpu.vector_load_idx %arg10[%add3A_321, %broadcast_in_dim3A_359] : memref<512x32xf32, #tpu.memory_space<vmem>>[vector<16xi32>, vector<16xi32>], vector<16xf32>,
      %mul3A_362 = arith.mulf %gather3A_360, %gather3A_361 : vector<16xf32>
      %add3A_363 = arith.addf %mul3A_339, %mul3A_362 : vector<16xf32>
      %broadcast_in_dim3A_364 = arith.constant 8 : i32
      %broadcast_in_dim3A_365 = vector.broadcast %broadcast_in_dim3A_364 : i32 to vector<16xi32>
      %gather3A_366 = tpu.vector_load_idx %arg9[%add3A_321, %broadcast_in_dim3A_365] : memref<512x32xf32, #tpu.memory_space<vmem>>[vector<16xi32>, vector<16xi32>], vector<16xf32>,
      %gather3A_367 = tpu.vector_load_idx %arg10[%add3A_321, %broadcast_in_dim3A_365] : memref<512x32xf32, #tpu.memory_space<vmem>>[vector<16xi32>, vector<16xi32>], vector<16xf32>,
      %mul3A_368 = arith.mulf %gather3A_366, %gather3A_367 : vector<16xf32>
      %add3A_369 = arith.addf %add3A_345, %mul3A_368 : vector<16xf32>
      %broadcast_in_dim3A_370 = arith.constant 9 : i32
      %broadcast_in_dim3A_371 = vector.broadcast %broadcast_in_dim3A_370 : i32 to vector<16xi32>
      %gather3A_372 = tpu.vector_load_idx %arg9[%add3A_321, %broadcast_in_dim3A_371] : memref<512x32xf32, #tpu.memory_space<vmem>>[vector<16xi32>, vector<16xi32>], vector<16xf32>,
      %gather3A_373 = tpu.vector_load_idx %arg10[%add3A_321, %broadcast_in_dim3A_371] : memref<512x32xf32, #tpu.memory_space<vmem>>[vector<16xi32>, vector<16xi32>], vector<16xf32>,
      %mul3A_374 = arith.mulf %gather3A_372, %gather3A_373 : vector<16xf32>
      %add3A_375 = arith.addf %add3A_351, %mul3A_374 : vector<16xf32>
      %broadcast_in_dim3A_376 = arith.constant 10 : i32
      %broadcast_in_dim3A_377 = vector.broadcast %broadcast_in_dim3A_376 : i32 to vector<16xi32>
      %gather3A_378 = tpu.vector_load_idx %arg9[%add3A_321, %broadcast_in_dim3A_377] : memref<512x32xf32, #tpu.memory_space<vmem>>[vector<16xi32>, vector<16xi32>], vector<16xf32>,
      %gather3A_379 = tpu.vector_load_idx %arg10[%add3A_321, %broadcast_in_dim3A_377] : memref<512x32xf32, #tpu.memory_space<vmem>>[vector<16xi32>, vector<16xi32>], vector<16xf32>,
      %mul3A_380 = arith.mulf %gather3A_378, %gather3A_379 : vector<16xf32>
      %add3A_381 = arith.addf %add3A_357, %mul3A_380 : vector<16xf32>
      %broadcast_in_dim3A_382 = arith.constant 11 : i32
      %broadcast_in_dim3A_383 = vector.broadcast %broadcast_in_dim3A_382 : i32 to vector<16xi32>
      %gather3A_384 = tpu.vector_load_idx %arg9[%add3A_321, %broadcast_in_dim3A_383] : memref<512x32xf32, #tpu.memory_space<vmem>>[vector<16xi32>, vector<16xi32>], vector<16xf32>,
      %gather3A_385 = tpu.vector_load_idx %arg10[%add3A_321, %broadcast_in_dim3A_383] : memref<512x32xf32, #tpu.memory_space<vmem>>[vector<16xi32>, vector<16xi32>], vector<16xf32>,
      %mul3A_386 = arith.mulf %gather3A_384, %gather3A_385 : vector<16xf32>
      %add3A_387 = arith.addf %add3A_363, %mul3A_386 : vector<16xf32>
      %broadcast_in_dim3A_388 = arith.constant 12 : i32
      %broadcast_in_dim3A_389 = vector.broadcast %broadcast_in_dim3A_388 : i32 to vector<16xi32>
      %gather3A_390 = tpu.vector_load_idx %arg9[%add3A_321, %broadcast_in_dim3A_389] : memref<512x32xf32, #tpu.memory_space<vmem>>[vector<16xi32>, vector<16xi32>], vector<16xf32>,
      %gather3A_391 = tpu.vector_load_idx %arg10[%add3A_321, %broadcast_in_dim3A_389] : memref<512x32xf32, #tpu.memory_space<vmem>>[vector<16xi32>, vector<16xi32>], vector<16xf32>,
      %mul3A_392 = arith.mulf %gather3A_390, %gather3A_391 : vector<16xf32>
      %add3A_393 = arith.addf %add3A_369, %mul3A_392 : vector<16xf32>
      %broadcast_in_dim3A_394 = arith.constant 13 : i32
      %broadcast_in_dim3A_395 = vector.broadcast %broadcast_in_dim3A_394 : i32 to vector<16xi32>
      %gather3A_396 = tpu.vector_load_idx %arg9[%add3A_321, %broadcast_in_dim3A_395] : memref<512x32xf32, #tpu.memory_space<vmem>>[vector<16xi32>, vector<16xi32>], vector<16xf32>,
      %gather3A_397 = tpu.vector_load_idx %arg10[%add3A_321, %broadcast_in_dim3A_395] : memref<512x32xf32, #tpu.memory_space<vmem>>[vector<16xi32>, vector<16xi32>], vector<16xf32>,
      %mul3A_398 = arith.mulf %gather3A_396, %gather3A_397 : vector<16xf32>
      %add3A_399 = arith.addf %add3A_375, %mul3A_398 : vector<16xf32>
      %broadcast_in_dim3A_400 = arith.constant 14 : i32
      %broadcast_in_dim3A_401 = vector.broadcast %broadcast_in_dim3A_400 : i32 to vector<16xi32>
      %gather3A_402 = tpu.vector_load_idx %arg9[%add3A_321, %broadcast_in_dim3A_401] : memref<512x32xf32, #tpu.memory_space<vmem>>[vector<16xi32>, vector<16xi32>], vector<16xf32>,
      %gather3A_403 = tpu.vector_load_idx %arg10[%add3A_321, %broadcast_in_dim3A_401] : memref<512x32xf32, #tpu.memory_space<vmem>>[vector<16xi32>, vector<16xi32>], vector<16xf32>,
      %mul3A_404 = arith.mulf %gather3A_402, %gather3A_403 : vector<16xf32>
      %add3A_405 = arith.addf %add3A_381, %mul3A_404 : vector<16xf32>
      %broadcast_in_dim3A_406 = arith.constant 15 : i32
      %broadcast_in_dim3A_407 = vector.broadcast %broadcast_in_dim3A_406 : i32 to vector<16xi32>
      %gather3A_408 = tpu.vector_load_idx %arg9[%add3A_321, %broadcast_in_dim3A_407] : memref<512x32xf32, #tpu.memory_space<vmem>>[vector<16xi32>, vector<16xi32>], vector<16xf32>,
      %gather3A_409 = tpu.vector_load_idx %arg10[%add3A_321, %broadcast_in_dim3A_407] : memref<512x32xf32, #tpu.memory_space<vmem>>[vector<16xi32>, vector<16xi32>], vector<16xf32>,
      %mul3A_410 = arith.mulf %gather3A_408, %gather3A_409 : vector<16xf32>
      %add3A_411 = arith.addf %add3A_387, %mul3A_410 : vector<16xf32>
      %broadcast_in_dim3A_412 = arith.constant 16 : i32
      %broadcast_in_dim3A_413 = vector.broadcast %broadcast_in_dim3A_412 : i32 to vector<16xi32>
      %gather3A_414 = tpu.vector_load_idx %arg9[%add3A_321, %broadcast_in_dim3A_413] : memref<512x32xf32, #tpu.memory_space<vmem>>[vector<16xi32>, vector<16xi32>], vector<16xf32>,
      %gather3A_415 = tpu.vector_load_idx %arg10[%add3A_321, %broadcast_in_dim3A_413] : memref<512x32xf32, #tpu.memory_space<vmem>>[vector<16xi32>, vector<16xi32>], vector<16xf32>,
      %mul3A_416 = arith.mulf %gather3A_414, %gather3A_415 : vector<16xf32>
      %add3A_417 = arith.addf %add3A_393, %mul3A_416 : vector<16xf32>
      %broadcast_in_dim3A_418 = arith.constant 17 : i32
      %broadcast_in_dim3A_419 = vector.broadcast %broadcast_in_dim3A_418 : i32 to vector<16xi32>
      %gather3A_420 = tpu.vector_load_idx %arg9[%add3A_321, %broadcast_in_dim3A_419] : memref<512x32xf32, #tpu.memory_space<vmem>>[vector<16xi32>, vector<16xi32>], vector<16xf32>,
      %gather3A_421 = tpu.vector_load_idx %arg10[%add3A_321, %broadcast_in_dim3A_419] : memref<512x32xf32, #tpu.memory_space<vmem>>[vector<16xi32>, vector<16xi32>], vector<16xf32>,
      %mul3A_422 = arith.mulf %gather3A_420, %gather3A_421 : vector<16xf32>
      %add3A_423 = arith.addf %add3A_399, %mul3A_422 : vector<16xf32>
      %broadcast_in_dim3A_424 = arith.constant 18 : i32
      %broadcast_in_dim3A_425 = vector.broadcast %broadcast_in_dim3A_424 : i32 to vector<16xi32>
      %gather3A_426 = tpu.vector_load_idx %arg9[%add3A_321, %broadcast_in_dim3A_425] : memref<512x32xf32, #tpu.memory_space<vmem>>[vector<16xi32>, vector<16xi32>], vector<16xf32>,
      %gather3A_427 = tpu.vector_load_idx %arg10[%add3A_321, %broadcast_in_dim3A_425] : memref<512x32xf32, #tpu.memory_space<vmem>>[vector<16xi32>, vector<16xi32>], vector<16xf32>,
      %mul3A_428 = arith.mulf %gather3A_426, %gather3A_427 : vector<16xf32>
      %add3A_429 = arith.addf %add3A_405, %mul3A_428 : vector<16xf32>
      %broadcast_in_dim3A_430 = arith.constant 19 : i32
      %broadcast_in_dim3A_431 = vector.broadcast %broadcast_in_dim3A_430 : i32 to vector<16xi32>
      %gather3A_432 = tpu.vector_load_idx %arg9[%add3A_321, %broadcast_in_dim3A_431] : memref<512x32xf32, #tpu.memory_space<vmem>>[vector<16xi32>, vector<16xi32>], vector<16xf32>,
      %gather3A_433 = tpu.vector_load_idx %arg10[%add3A_321, %broadcast_in_dim3A_431] : memref<512x32xf32, #tpu.memory_space<vmem>>[vector<16xi32>, vector<16xi32>], vector<16xf32>,
      %mul3A_434 = arith.mulf %gather3A_432, %gather3A_433 : vector<16xf32>
      %add3A_435 = arith.addf %add3A_411, %mul3A_434 : vector<16xf32>
      %broadcast_in_dim3A_436 = arith.constant 20 : i32
      %broadcast_in_dim3A_437 = vector.broadcast %broadcast_in_dim3A_436 : i32 to vector<16xi32>
      %gather3A_438 = tpu.vector_load_idx %arg9[%add3A_321, %broadcast_in_dim3A_437] : memref<512x32xf32, #tpu.memory_space<vmem>>[vector<16xi32>, vector<16xi32>], vector<16xf32>,
      %gather3A_439 = tpu.vector_load_idx %arg10[%add3A_321, %broadcast_in_dim3A_437] : memref<512x32xf32, #tpu.memory_space<vmem>>[vector<16xi32>, vector<16xi32>], vector<16xf32>,
      %mul3A_440 = arith.mulf %gather3A_438, %gather3A_439 : vector<16xf32>
      %add3A_441 = arith.addf %add3A_417, %mul3A_440 : vector<16xf32>
      %broadcast_in_dim3A_442 = arith.constant 21 : i32
      %broadcast_in_dim3A_443 = vector.broadcast %broadcast_in_dim3A_442 : i32 to vector<16xi32>
      %gather3A_444 = tpu.vector_load_idx %arg9[%add3A_321, %broadcast_in_dim3A_443] : memref<512x32xf32, #tpu.memory_space<vmem>>[vector<16xi32>, vector<16xi32>], vector<16xf32>,
      %gather3A_445 = tpu.vector_load_idx %arg10[%add3A_321, %broadcast_in_dim3A_443] : memref<512x32xf32, #tpu.memory_space<vmem>>[vector<16xi32>, vector<16xi32>], vector<16xf32>,
      %mul3A_446 = arith.mulf %gather3A_444, %gather3A_445 : vector<16xf32>
      %add3A_447 = arith.addf %add3A_423, %mul3A_446 : vector<16xf32>
      %broadcast_in_dim3A_448 = arith.constant 22 : i32
      %broadcast_in_dim3A_449 = vector.broadcast %broadcast_in_dim3A_448 : i32 to vector<16xi32>
      %gather3A_450 = tpu.vector_load_idx %arg9[%add3A_321, %broadcast_in_dim3A_449] : memref<512x32xf32, #tpu.memory_space<vmem>>[vector<16xi32>, vector<16xi32>], vector<16xf32>,
      %gather3A_451 = tpu.vector_load_idx %arg10[%add3A_321, %broadcast_in_dim3A_449] : memref<512x32xf32, #tpu.memory_space<vmem>>[vector<16xi32>, vector<16xi32>], vector<16xf32>,
      %mul3A_452 = arith.mulf %gather3A_450, %gather3A_451 : vector<16xf32>
      %add3A_453 = arith.addf %add3A_429, %mul3A_452 : vector<16xf32>
      %broadcast_in_dim3A_454 = arith.constant 23 : i32
      %broadcast_in_dim3A_455 = vector.broadcast %broadcast_in_dim3A_454 : i32 to vector<16xi32>
      %gather3A_456 = tpu.vector_load_idx %arg9[%add3A_321, %broadcast_in_dim3A_455] : memref<512x32xf32, #tpu.memory_space<vmem>>[vector<16xi32>, vector<16xi32>], vector<16xf32>,
      %gather3A_457 = tpu.vector_load_idx %arg10[%add3A_321, %broadcast_in_dim3A_455] : memref<512x32xf32, #tpu.memory_space<vmem>>[vector<16xi32>, vector<16xi32>], vector<16xf32>,
      %mul3A_458 = arith.mulf %gather3A_456, %gather3A_457 : vector<16xf32>
      %add3A_459 = arith.addf %add3A_435, %mul3A_458 : vector<16xf32>
      %broadcast_in_dim3A_460 = arith.constant 24 : i32
      %broadcast_in_dim3A_461 = vector.broadcast %broadcast_in_dim3A_460 : i32 to vector<16xi32>
      %gather3A_462 = tpu.vector_load_idx %arg9[%add3A_321, %broadcast_in_dim3A_461] : memref<512x32xf32, #tpu.memory_space<vmem>>[vector<16xi32>, vector<16xi32>], vector<16xf32>,
      %gather3A_463 = tpu.vector_load_idx %arg10[%add3A_321, %broadcast_in_dim3A_461] : memref<512x32xf32, #tpu.memory_space<vmem>>[vector<16xi32>, vector<16xi32>], vector<16xf32>,
      %mul3A_464 = arith.mulf %gather3A_462, %gather3A_463 : vector<16xf32>
      %add3A_465 = arith.addf %add3A_441, %mul3A_464 : vector<16xf32>
      %broadcast_in_dim3A_466 = arith.constant 25 : i32
      %broadcast_in_dim3A_467 = vector.broadcast %broadcast_in_dim3A_466 : i32 to vector<16xi32>
      %gather3A_468 = tpu.vector_load_idx %arg9[%add3A_321, %broadcast_in_dim3A_467] : memref<512x32xf32, #tpu.memory_space<vmem>>[vector<16xi32>, vector<16xi32>], vector<16xf32>,
      %gather3A_469 = tpu.vector_load_idx %arg10[%add3A_321, %broadcast_in_dim3A_467] : memref<512x32xf32, #tpu.memory_space<vmem>>[vector<16xi32>, vector<16xi32>], vector<16xf32>,
      %mul3A_470 = arith.mulf %gather3A_468, %gather3A_469 : vector<16xf32>
      %add3A_471 = arith.addf %add3A_447, %mul3A_470 : vector<16xf32>
      %broadcast_in_dim3A_472 = arith.constant 26 : i32
      %broadcast_in_dim3A_473 = vector.broadcast %broadcast_in_dim3A_472 : i32 to vector<16xi32>
      %gather3A_474 = tpu.vector_load_idx %arg9[%add3A_321, %broadcast_in_dim3A_473] : memref<512x32xf32, #tpu.memory_space<vmem>>[vector<16xi32>, vector<16xi32>], vector<16xf32>,
      %gather3A_475 = tpu.vector_load_idx %arg10[%add3A_321, %broadcast_in_dim3A_473] : memref<512x32xf32, #tpu.memory_space<vmem>>[vector<16xi32>, vector<16xi32>], vector<16xf32>,
      %mul3A_476 = arith.mulf %gather3A_474, %gather3A_475 : vector<16xf32>
      %add3A_477 = arith.addf %add3A_453, %mul3A_476 : vector<16xf32>
      %broadcast_in_dim3A_478 = arith.constant 27 : i32
      %broadcast_in_dim3A_479 = vector.broadcast %broadcast_in_dim3A_478 : i32 to vector<16xi32>
      %gather3A_480 = tpu.vector_load_idx %arg9[%add3A_321, %broadcast_in_dim3A_479] : memref<512x32xf32, #tpu.memory_space<vmem>>[vector<16xi32>, vector<16xi32>], vector<16xf32>,
      %gather3A_481 = tpu.vector_load_idx %arg10[%add3A_321, %broadcast_in_dim3A_479] : memref<512x32xf32, #tpu.memory_space<vmem>>[vector<16xi32>, vector<16xi32>], vector<16xf32>,
      %mul3A_482 = arith.mulf %gather3A_480, %gather3A_481 : vector<16xf32>
      %add3A_483 = arith.addf %add3A_459, %mul3A_482 : vector<16xf32>
      %broadcast_in_dim3A_484 = arith.constant 28 : i32
      %broadcast_in_dim3A_485 = vector.broadcast %broadcast_in_dim3A_484 : i32 to vector<16xi32>
      %gather3A_486 = tpu.vector_load_idx %arg9[%add3A_321, %broadcast_in_dim3A_485] : memref<512x32xf32, #tpu.memory_space<vmem>>[vector<16xi32>, vector<16xi32>], vector<16xf32>,
      %gather3A_487 = tpu.vector_load_idx %arg10[%add3A_321, %broadcast_in_dim3A_485] : memref<512x32xf32, #tpu.memory_space<vmem>>[vector<16xi32>, vector<16xi32>], vector<16xf32>,
      %mul3A_488 = arith.mulf %gather3A_486, %gather3A_487 : vector<16xf32>
      %add3A_489 = arith.addf %add3A_465, %mul3A_488 : vector<16xf32>
      %broadcast_in_dim3A_490 = arith.constant 29 : i32
      %broadcast_in_dim3A_491 = vector.broadcast %broadcast_in_dim3A_490 : i32 to vector<16xi32>
      %gather3A_492 = tpu.vector_load_idx %arg9[%add3A_321, %broadcast_in_dim3A_491] : memref<512x32xf32, #tpu.memory_space<vmem>>[vector<16xi32>, vector<16xi32>], vector<16xf32>,
      %gather3A_493 = tpu.vector_load_idx %arg10[%add3A_321, %broadcast_in_dim3A_491] : memref<512x32xf32, #tpu.memory_space<vmem>>[vector<16xi32>, vector<16xi32>], vector<16xf32>,
      %mul3A_494 = arith.mulf %gather3A_492, %gather3A_493 : vector<16xf32>
      %add3A_495 = arith.addf %add3A_471, %mul3A_494 : vector<16xf32>
      %broadcast_in_dim3A_496 = arith.constant 30 : i32
      %broadcast_in_dim3A_497 = vector.broadcast %broadcast_in_dim3A_496 : i32 to vector<16xi32>
      %gather3A_498 = tpu.vector_load_idx %arg9[%add3A_321, %broadcast_in_dim3A_497] : memref<512x32xf32, #tpu.memory_space<vmem>>[vector<16xi32>, vector<16xi32>], vector<16xf32>,
      %gather3A_499 = tpu.vector_load_idx %arg10[%add3A_321, %broadcast_in_dim3A_497] : memref<512x32xf32, #tpu.memory_space<vmem>>[vector<16xi32>, vector<16xi32>], vector<16xf32>,
      %mul3A_500 = arith.mulf %gather3A_498, %gather3A_499 : vector<16xf32>
      %add3A_501 = arith.addf %add3A_477, %mul3A_500 : vector<16xf32>
      %broadcast_in_dim3A_502 = arith.constant 31 : i32
      %broadcast_in_dim3A_503 = vector.broadcast %broadcast_in_dim3A_502 : i32 to vector<16xi32>
      %gather3A_504 = tpu.vector_load_idx %arg9[%add3A_321, %broadcast_in_dim3A_503] : memref<512x32xf32, #tpu.memory_space<vmem>>[vector<16xi32>, vector<16xi32>], vector<16xf32>,
      %gather3A_505 = tpu.vector_load_idx %arg10[%add3A_321, %broadcast_in_dim3A_503] : memref<512x32xf32, #tpu.memory_space<vmem>>[vector<16xi32>, vector<16xi32>], vector<16xf32>,
      %mul3A_506 = arith.mulf %gather3A_504, %gather3A_505 : vector<16xf32>
      %add3A_507 = arith.addf %add3A_483, %mul3A_506 : vector<16xf32>
      %mul3A_508 = arith.constant 16 : i32
      %mul3A_509 = arith.muli %scan3A_317, %mul3A_508 : i32
      %get3A = arith.index_cast %mul3A_509 : i32 to index
      %get3A_510 = tpu.vector_load %arg11[%get3A] {strides = array<i32>} : memref<512xf32, #tpu.memory_space<vmem>>, vector<16xf32>,
      %mul3A_511 = arith.constant 16 : i32
      %mul3A_512 = arith.muli %scan3A_317, %mul3A_511 : i32
      %get3A_513 = arith.index_cast %mul3A_512 : i32 to index
      %get3A_514 = tpu.vector_load %arg12[%get3A_513] {strides = array<i32>} : memref<512xf32, #tpu.memory_space<vmem>>, vector<16xf32>,
      %add3A_515 = arith.addf %get3A_510, %get3A_514 : vector<16xf32>
      %add3A_516 = arith.addf %add3A_489, %add3A_495 : vector<16xf32>
      %add3A_517 = arith.addf %add3A_501, %add3A_507 : vector<16xf32>
      %add3A_518 = arith.addf %add3A_516, %add3A_517 : vector<16xf32>
      %add3A_519 = arith.addf %add3A_518, %add3A_515 : vector<16xf32>
      %mul3A_520 = arith.constant 16 : i32
      %mul3A_521 = arith.muli %scan3A_317, %mul3A_520 : i32
      %swap3A = arith.index_cast %mul3A_521 : i32 to index
      %swap3A_522 = tpu.vector_load %arg13[%swap3A] {strides = array<i32>} : memref<512xf32, #tpu.memory_space<vmem>>, vector<16xf32>,
      tpu.vector_store %arg13[%swap3A], %add3A_519 {strides = array<i32>} : memref<512xf32, #tpu.memory_space<vmem>>, vector<16xf32>,
      %scan3A_523 = arith.constant 1 : i32
      %scan3A_524 = arith.addi %scan3A_317, %scan3A_523 : i32
      %mul3A_525 = arith.constant 16 : i32
      %mul3A_526 = arith.muli %scan3A_524, %mul3A_525 : i32
      %add3A_527 = vector.broadcast %mul3A_526 : i32 to vector<16xi32>
      %add3A_528 = arith.addi %add3A_527, %iota3A : vector<16xi32>
      %broadcast_in_dim3A_529 = arith.constant 0 : i32
      %broadcast_in_dim3A_530 = vector.broadcast %broadcast_in_dim3A_529 : i32 to vector<16xi32>
      %gather3A_531 = tpu.vector_load_idx %arg9[%add3A_528, %broadcast_in_dim3A_530] : memref<512x32xf32, #tpu.memory_space<vmem>>[vector<16xi32>, vector<16xi32>], vector<16xf32>,
      %gather3A_532 = tpu.vector_load_idx %arg10[%add3A_528, %broadcast_in_dim3A_530] : memref<512x32xf32, #tpu.memory_space<vmem>>[vector<16xi32>, vector<16xi32>], vector<16xf32>,
      %mul3A_533 = arith.mulf %gather3A_531, %gather3A_532 : vector<16xf32>
      %broadcast_in_dim3A_534 = arith.constant 1 : i32
      %broadcast_in_dim3A_535 = vector.broadcast %broadcast_in_dim3A_534 : i32 to vector<16xi32>
      %gather3A_536 = tpu.vector_load_idx %arg9[%add3A_528, %broadcast_in_dim3A_535] : memref<512x32xf32, #tpu.memory_space<vmem>>[vector<16xi32>, vector<16xi32>], vector<16xf32>,
      %gather3A_537 = tpu.vector_load_idx %arg10[%add3A_528, %broadcast_in_dim3A_535] : memref<512x32xf32, #tpu.memory_space<vmem>>[vector<16xi32>, vector<16xi32>], vector<16xf32>,
      %mul3A_538 = arith.mulf %gather3A_536, %gather3A_537 : vector<16xf32>
      %broadcast_in_dim3A_539 = arith.constant 2 : i32
      %broadcast_in_dim3A_540 = vector.broadcast %broadcast_in_dim3A_539 : i32 to vector<16xi32>
      %gather3A_541 = tpu.vector_load_idx %arg9[%add3A_528, %broadcast_in_dim3A_540] : memref<512x32xf32, #tpu.memory_space<vmem>>[vector<16xi32>, vector<16xi32>], vector<16xf32>,
      %gather3A_542 = tpu.vector_load_idx %arg10[%add3A_528, %broadcast_in_dim3A_540] : memref<512x32xf32, #tpu.memory_space<vmem>>[vector<16xi32>, vector<16xi32>], vector<16xf32>,
      %mul3A_543 = arith.mulf %gather3A_541, %gather3A_542 : vector<16xf32>
      %broadcast_in_dim3A_544 = arith.constant 3 : i32
      %broadcast_in_dim3A_545 = vector.broadcast %broadcast_in_dim3A_544 : i32 to vector<16xi32>
      %gather3A_546 = tpu.vector_load_idx %arg9[%add3A_528, %broadcast_in_dim3A_545] : memref<512x32xf32, #tpu.memory_space<vmem>>[vector<16xi32>, vector<16xi32>], vector<16xf32>,
      %gather3A_547 = tpu.vector_load_idx %arg10[%add3A_528, %broadcast_in_dim3A_545] : memref<512x32xf32, #tpu.memory_space<vmem>>[vector<16xi32>, vector<16xi32>], vector<16xf32>,
      %mul3A_548 = arith.mulf %gather3A_546, %gather3A_547 : vector<16xf32>
      %broadcast_in_dim3A_549 = arith.constant 4 : i32
      %broadcast_in_dim3A_550 = vector.broadcast %broadcast_in_dim3A_549 : i32 to vector<16xi32>
      %gather3A_551 = tpu.vector_load_idx %arg9[%add3A_528, %broadcast_in_dim3A_550] : memref<512x32xf32, #tpu.memory_space<vmem>>[vector<16xi32>, vector<16xi32>], vector<16xf32>,
      %gather3A_552 = tpu.vector_load_idx %arg10[%add3A_528, %broadcast_in_dim3A_550] : memref<512x32xf32, #tpu.memory_space<vmem>>[vector<16xi32>, vector<16xi32>], vector<16xf32>,
      %mul3A_553 = arith.mulf %gather3A_551, %gather3A_552 : vector<16xf32>
      %add3A_554 = arith.addf %mul3A_533, %mul3A_553 : vector<16xf32>
      %broadcast_in_dim3A_555 = arith.constant 5 : i32
      %broadcast_in_dim3A_556 = vector.broadcast %broadcast_in_dim3A_555 : i32 to vector<16xi32>
      %gather3A_557 = tpu.vector_load_idx %arg9[%add3A_528, %broadcast_in_dim3A_556] : memref<512x32xf32, #tpu.memory_space<vmem>>[vector<16xi32>, vector<16xi32>], vector<16xf32>,
      %gather3A_558 = tpu.vector_load_idx %arg10[%add3A_528, %broadcast_in_dim3A_556] : memref<512x32xf32, #tpu.memory_space<vmem>>[vector<16xi32>, vector<16xi32>], vector<16xf32>,
      %mul3A_559 = arith.mulf %gather3A_557, %gather3A_558 : vector<16xf32>
      %add3A_560 = arith.addf %mul3A_538, %mul3A_559 : vector<16xf32>
      %broadcast_in_dim3A_561 = arith.constant 6 : i32
      %broadcast_in_dim3A_562 = vector.broadcast %broadcast_in_dim3A_561 : i32 to vector<16xi32>
      %gather3A_563 = tpu.vector_load_idx %arg9[%add3A_528, %broadcast_in_dim3A_562] : memref<512x32xf32, #tpu.memory_space<vmem>>[vector<16xi32>, vector<16xi32>], vector<16xf32>,
      %gather3A_564 = tpu.vector_load_idx %arg10[%add3A_528, %broadcast_in_dim3A_562] : memref<512x32xf32, #tpu.memory_space<vmem>>[vector<16xi32>, vector<16xi32>], vector<16xf32>,
      %mul3A_565 = arith.mulf %gather3A_563, %gather3A_564 : vector<16xf32>
      %add3A_566 = arith.addf %mul3A_543, %mul3A_565 : vector<16xf32>
      %broadcast_in_dim3A_567 = arith.constant 7 : i32
      %broadcast_in_dim3A_568 = vector.broadcast %broadcast_in_dim3A_567 : i32 to vector<16xi32>
      %gather3A_569 = tpu.vector_load_idx %arg9[%add3A_528, %broadcast_in_dim3A_568] : memref<512x32xf32, #tpu.memory_space<vmem>>[vector<16xi32>, vector<16xi32>], vector<16xf32>,
      %gather3A_570 = tpu.vector_load_idx %arg10[%add3A_528, %broadcast_in_dim3A_568] : memref<512x32xf32, #tpu.memory_space<vmem>>[vector<16xi32>, vector<16xi32>], vector<16xf32>,
      %mul3A_571 = arith.mulf %gather3A_569, %gather3A_570 : vector<16xf32>
      %add3A_572 = arith.addf %mul3A_548, %mul3A_571 : vector<16xf32>
      %broadcast_in_dim3A_573 = arith.constant 8 : i32
      %broadcast_in_dim3A_574 = vector.broadcast %broadcast_in_dim3A_573 : i32 to vector<16xi32>
      %gather3A_575 = tpu.vector_load_idx %arg9[%add3A_528, %broadcast_in_dim3A_574] : memref<512x32xf32, #tpu.memory_space<vmem>>[vector<16xi32>, vector<16xi32>], vector<16xf32>,
      %gather3A_576 = tpu.vector_load_idx %arg10[%add3A_528, %broadcast_in_dim3A_574] : memref<512x32xf32, #tpu.memory_space<vmem>>[vector<16xi32>, vector<16xi32>], vector<16xf32>,
      %mul3A_577 = arith.mulf %gather3A_575, %gather3A_576 : vector<16xf32>
      %add3A_578 = arith.addf %add3A_554, %mul3A_577 : vector<16xf32>
      %broadcast_in_dim3A_579 = arith.constant 9 : i32
      %broadcast_in_dim3A_580 = vector.broadcast %broadcast_in_dim3A_579 : i32 to vector<16xi32>
      %gather3A_581 = tpu.vector_load_idx %arg9[%add3A_528, %broadcast_in_dim3A_580] : memref<512x32xf32, #tpu.memory_space<vmem>>[vector<16xi32>, vector<16xi32>], vector<16xf32>,
      %gather3A_582 = tpu.vector_load_idx %arg10[%add3A_528, %broadcast_in_dim3A_580] : memref<512x32xf32, #tpu.memory_space<vmem>>[vector<16xi32>, vector<16xi32>], vector<16xf32>,
      %mul3A_583 = arith.mulf %gather3A_581, %gather3A_582 : vector<16xf32>
      %add3A_584 = arith.addf %add3A_560, %mul3A_583 : vector<16xf32>
      %broadcast_in_dim3A_585 = arith.constant 10 : i32
      %broadcast_in_dim3A_586 = vector.broadcast %broadcast_in_dim3A_585 : i32 to vector<16xi32>
      %gather3A_587 = tpu.vector_load_idx %arg9[%add3A_528, %broadcast_in_dim3A_586] : memref<512x32xf32, #tpu.memory_space<vmem>>[vector<16xi32>, vector<16xi32>], vector<16xf32>,
      %gather3A_588 = tpu.vector_load_idx %arg10[%add3A_528, %broadcast_in_dim3A_586] : memref<512x32xf32, #tpu.memory_space<vmem>>[vector<16xi32>, vector<16xi32>], vector<16xf32>,
      %mul3A_589 = arith.mulf %gather3A_587, %gather3A_588 : vector<16xf32>
      %add3A_590 = arith.addf %add3A_566, %mul3A_589 : vector<16xf32>
      %broadcast_in_dim3A_591 = arith.constant 11 : i32
      %broadcast_in_dim3A_592 = vector.broadcast %broadcast_in_dim3A_591 : i32 to vector<16xi32>
      %gather3A_593 = tpu.vector_load_idx %arg9[%add3A_528, %broadcast_in_dim3A_592] : memref<512x32xf32, #tpu.memory_space<vmem>>[vector<16xi32>, vector<16xi32>], vector<16xf32>,
      %gather3A_594 = tpu.vector_load_idx %arg10[%add3A_528, %broadcast_in_dim3A_592] : memref<512x32xf32, #tpu.memory_space<vmem>>[vector<16xi32>, vector<16xi32>], vector<16xf32>,
      %mul3A_595 = arith.mulf %gather3A_593, %gather3A_594 : vector<16xf32>
      %add3A_596 = arith.addf %add3A_572, %mul3A_595 : vector<16xf32>
      %broadcast_in_dim3A_597 = arith.constant 12 : i32
      %broadcast_in_dim3A_598 = vector.broadcast %broadcast_in_dim3A_597 : i32 to vector<16xi32>
      %gather3A_599 = tpu.vector_load_idx %arg9[%add3A_528, %broadcast_in_dim3A_598] : memref<512x32xf32, #tpu.memory_space<vmem>>[vector<16xi32>, vector<16xi32>], vector<16xf32>,
      %gather3A_600 = tpu.vector_load_idx %arg10[%add3A_528, %broadcast_in_dim3A_598] : memref<512x32xf32, #tpu.memory_space<vmem>>[vector<16xi32>, vector<16xi32>], vector<16xf32>,
      %mul3A_601 = arith.mulf %gather3A_599, %gather3A_600 : vector<16xf32>
      %add3A_602 = arith.addf %add3A_578, %mul3A_601 : vector<16xf32>
      %broadcast_in_dim3A_603 = arith.constant 13 : i32
      %broadcast_in_dim3A_604 = vector.broadcast %broadcast_in_dim3A_603 : i32 to vector<16xi32>
      %gather3A_605 = tpu.vector_load_idx %arg9[%add3A_528, %broadcast_in_dim3A_604] : memref<512x32xf32, #tpu.memory_space<vmem>>[vector<16xi32>, vector<16xi32>], vector<16xf32>,
      %gather3A_606 = tpu.vector_load_idx %arg10[%add3A_528, %broadcast_in_dim3A_604] : memref<512x32xf32, #tpu.memory_space<vmem>>[vector<16xi32>, vector<16xi32>], vector<16xf32>,
      %mul3A_607 = arith.mulf %gather3A_605, %gather3A_606 : vector<16xf32>
      %add3A_608 = arith.addf %add3A_584, %mul3A_607 : vector<16xf32>
      %broadcast_in_dim3A_609 = arith.constant 14 : i32
      %broadcast_in_dim3A_610 = vector.broadcast %broadcast_in_dim3A_609 : i32 to vector<16xi32>
      %gather3A_611 = tpu.vector_load_idx %arg9[%add3A_528, %broadcast_in_dim3A_610] : memref<512x32xf32, #tpu.memory_space<vmem>>[vector<16xi32>, vector<16xi32>], vector<16xf32>,
      %gather3A_612 = tpu.vector_load_idx %arg10[%add3A_528, %broadcast_in_dim3A_610] : memref<512x32xf32, #tpu.memory_space<vmem>>[vector<16xi32>, vector<16xi32>], vector<16xf32>,
      %mul3A_613 = arith.mulf %gather3A_611, %gather3A_612 : vector<16xf32>
      %add3A_614 = arith.addf %add3A_590, %mul3A_613 : vector<16xf32>
      %broadcast_in_dim3A_615 = arith.constant 15 : i32
      %broadcast_in_dim3A_616 = vector.broadcast %broadcast_in_dim3A_615 : i32 to vector<16xi32>
      %gather3A_617 = tpu.vector_load_idx %arg9[%add3A_528, %broadcast_in_dim3A_616] : memref<512x32xf32, #tpu.memory_space<vmem>>[vector<16xi32>, vector<16xi32>], vector<16xf32>,
      %gather3A_618 = tpu.vector_load_idx %arg10[%add3A_528, %broadcast_in_dim3A_616] : memref<512x32xf32, #tpu.memory_space<vmem>>[vector<16xi32>, vector<16xi32>], vector<16xf32>,
      %mul3A_619 = arith.mulf %gather3A_617, %gather3A_618 : vector<16xf32>
      %add3A_620 = arith.addf %add3A_596, %mul3A_619 : vector<16xf32>
      %broadcast_in_dim3A_621 = arith.constant 16 : i32
      %broadcast_in_dim3A_622 = vector.broadcast %broadcast_in_dim3A_621 : i32 to vector<16xi32>
      %gather3A_623 = tpu.vector_load_idx %arg9[%add3A_528, %broadcast_in_dim3A_622] : memref<512x32xf32, #tpu.memory_space<vmem>>[vector<16xi32>, vector<16xi32>], vector<16xf32>,
      %gather3A_624 = tpu.vector_load_idx %arg10[%add3A_528, %broadcast_in_dim3A_622] : memref<512x32xf32, #tpu.memory_space<vmem>>[vector<16xi32>, vector<16xi32>], vector<16xf32>,
      %mul3A_625 = arith.mulf %gather3A_623, %gather3A_624 : vector<16xf32>
      %add3A_626 = arith.addf %add3A_602, %mul3A_625 : vector<16xf32>
      %broadcast_in_dim3A_627 = arith.constant 17 : i32
      %broadcast_in_dim3A_628 = vector.broadcast %broadcast_in_dim3A_627 : i32 to vector<16xi32>
      %gather3A_629 = tpu.vector_load_idx %arg9[%add3A_528, %broadcast_in_dim3A_628] : memref<512x32xf32, #tpu.memory_space<vmem>>[vector<16xi32>, vector<16xi32>], vector<16xf32>,
      %gather3A_630 = tpu.vector_load_idx %arg10[%add3A_528, %broadcast_in_dim3A_628] : memref<512x32xf32, #tpu.memory_space<vmem>>[vector<16xi32>, vector<16xi32>], vector<16xf32>,
      %mul3A_631 = arith.mulf %gather3A_629, %gather3A_630 : vector<16xf32>
      %add3A_632 = arith.addf %add3A_608, %mul3A_631 : vector<16xf32>
      %broadcast_in_dim3A_633 = arith.constant 18 : i32
      %broadcast_in_dim3A_634 = vector.broadcast %broadcast_in_dim3A_633 : i32 to vector<16xi32>
      %gather3A_635 = tpu.vector_load_idx %arg9[%add3A_528, %broadcast_in_dim3A_634] : memref<512x32xf32, #tpu.memory_space<vmem>>[vector<16xi32>, vector<16xi32>], vector<16xf32>,
      %gather3A_636 = tpu.vector_load_idx %arg10[%add3A_528, %broadcast_in_dim3A_634] : memref<512x32xf32, #tpu.memory_space<vmem>>[vector<16xi32>, vector<16xi32>], vector<16xf32>,
      %mul3A_637 = arith.mulf %gather3A_635, %gather3A_636 : vector<16xf32>
      %add3A_638 = arith.addf %add3A_614, %mul3A_637 : vector<16xf32>
      %broadcast_in_dim3A_639 = arith.constant 19 : i32
      %broadcast_in_dim3A_640 = vector.broadcast %broadcast_in_dim3A_639 : i32 to vector<16xi32>
      %gather3A_641 = tpu.vector_load_idx %arg9[%add3A_528, %broadcast_in_dim3A_640] : memref<512x32xf32, #tpu.memory_space<vmem>>[vector<16xi32>, vector<16xi32>], vector<16xf32>,
      %gather3A_642 = tpu.vector_load_idx %arg10[%add3A_528, %broadcast_in_dim3A_640] : memref<512x32xf32, #tpu.memory_space<vmem>>[vector<16xi32>, vector<16xi32>], vector<16xf32>,
      %mul3A_643 = arith.mulf %gather3A_641, %gather3A_642 : vector<16xf32>
      %add3A_644 = arith.addf %add3A_620, %mul3A_643 : vector<16xf32>
      %broadcast_in_dim3A_645 = arith.constant 20 : i32
      %broadcast_in_dim3A_646 = vector.broadcast %broadcast_in_dim3A_645 : i32 to vector<16xi32>
      %gather3A_647 = tpu.vector_load_idx %arg9[%add3A_528, %broadcast_in_dim3A_646] : memref<512x32xf32, #tpu.memory_space<vmem>>[vector<16xi32>, vector<16xi32>], vector<16xf32>,
      %gather3A_648 = tpu.vector_load_idx %arg10[%add3A_528, %broadcast_in_dim3A_646] : memref<512x32xf32, #tpu.memory_space<vmem>>[vector<16xi32>, vector<16xi32>], vector<16xf32>,
      %mul3A_649 = arith.mulf %gather3A_647, %gather3A_648 : vector<16xf32>
      %add3A_650 = arith.addf %add3A_626, %mul3A_649 : vector<16xf32>
      %broadcast_in_dim3A_651 = arith.constant 21 : i32
      %broadcast_in_dim3A_652 = vector.broadcast %broadcast_in_dim3A_651 : i32 to vector<16xi32>
      %gather3A_653 = tpu.vector_load_idx %arg9[%add3A_528, %broadcast_in_dim3A_652] : memref<512x32xf32, #tpu.memory_space<vmem>>[vector<16xi32>, vector<16xi32>], vector<16xf32>,
      %gather3A_654 = tpu.vector_load_idx %arg10[%add3A_528, %broadcast_in_dim3A_652] : memref<512x32xf32, #tpu.memory_space<vmem>>[vector<16xi32>, vector<16xi32>], vector<16xf32>,
      %mul3A_655 = arith.mulf %gather3A_653, %gather3A_654 : vector<16xf32>
      %add3A_656 = arith.addf %add3A_632, %mul3A_655 : vector<16xf32>
      %broadcast_in_dim3A_657 = arith.constant 22 : i32
      %broadcast_in_dim3A_658 = vector.broadcast %broadcast_in_dim3A_657 : i32 to vector<16xi32>
      %gather3A_659 = tpu.vector_load_idx %arg9[%add3A_528, %broadcast_in_dim3A_658] : memref<512x32xf32, #tpu.memory_space<vmem>>[vector<16xi32>, vector<16xi32>], vector<16xf32>,
      %gather3A_660 = tpu.vector_load_idx %arg10[%add3A_528, %broadcast_in_dim3A_658] : memref<512x32xf32, #tpu.memory_space<vmem>>[vector<16xi32>, vector<16xi32>], vector<16xf32>,
      %mul3A_661 = arith.mulf %gather3A_659, %gather3A_660 : vector<16xf32>
      %add3A_662 = arith.addf %add3A_638, %mul3A_661 : vector<16xf32>
      %broadcast_in_dim3A_663 = arith.constant 23 : i32
      %broadcast_in_dim3A_664 = vector.broadcast %broadcast_in_dim3A_663 : i32 to vector<16xi32>
      %gather3A_665 = tpu.vector_load_idx %arg9[%add3A_528, %broadcast_in_dim3A_664] : memref<512x32xf32, #tpu.memory_space<vmem>>[vector<16xi32>, vector<16xi32>], vector<16xf32>,
      %gather3A_666 = tpu.vector_load_idx %arg10[%add3A_528, %broadcast_in_dim3A_664] : memref<512x32xf32, #tpu.memory_space<vmem>>[vector<16xi32>, vector<16xi32>], vector<16xf32>,
      %mul3A_667 = arith.mulf %gather3A_665, %gather3A_666 : vector<16xf32>
      %add3A_668 = arith.addf %add3A_644, %mul3A_667 : vector<16xf32>
      %broadcast_in_dim3A_669 = arith.constant 24 : i32
      %broadcast_in_dim3A_670 = vector.broadcast %broadcast_in_dim3A_669 : i32 to vector<16xi32>
      %gather3A_671 = tpu.vector_load_idx %arg9[%add3A_528, %broadcast_in_dim3A_670] : memref<512x32xf32, #tpu.memory_space<vmem>>[vector<16xi32>, vector<16xi32>], vector<16xf32>,
      %gather3A_672 = tpu.vector_load_idx %arg10[%add3A_528, %broadcast_in_dim3A_670] : memref<512x32xf32, #tpu.memory_space<vmem>>[vector<16xi32>, vector<16xi32>], vector<16xf32>,
      %mul3A_673 = arith.mulf %gather3A_671, %gather3A_672 : vector<16xf32>
      %add3A_674 = arith.addf %add3A_650, %mul3A_673 : vector<16xf32>
      %broadcast_in_dim3A_675 = arith.constant 25 : i32
      %broadcast_in_dim3A_676 = vector.broadcast %broadcast_in_dim3A_675 : i32 to vector<16xi32>
      %gather3A_677 = tpu.vector_load_idx %arg9[%add3A_528, %broadcast_in_dim3A_676] : memref<512x32xf32, #tpu.memory_space<vmem>>[vector<16xi32>, vector<16xi32>], vector<16xf32>,
      %gather3A_678 = tpu.vector_load_idx %arg10[%add3A_528, %broadcast_in_dim3A_676] : memref<512x32xf32, #tpu.memory_space<vmem>>[vector<16xi32>, vector<16xi32>], vector<16xf32>,
      %mul3A_679 = arith.mulf %gather3A_677, %gather3A_678 : vector<16xf32>
      %add3A_680 = arith.addf %add3A_656, %mul3A_679 : vector<16xf32>
      %broadcast_in_dim3A_681 = arith.constant 26 : i32
      %broadcast_in_dim3A_682 = vector.broadcast %broadcast_in_dim3A_681 : i32 to vector<16xi32>
      %gather3A_683 = tpu.vector_load_idx %arg9[%add3A_528, %broadcast_in_dim3A_682] : memref<512x32xf32, #tpu.memory_space<vmem>>[vector<16xi32>, vector<16xi32>], vector<16xf32>,
      %gather3A_684 = tpu.vector_load_idx %arg10[%add3A_528, %broadcast_in_dim3A_682] : memref<512x32xf32, #tpu.memory_space<vmem>>[vector<16xi32>, vector<16xi32>], vector<16xf32>,
      %mul3A_685 = arith.mulf %gather3A_683, %gather3A_684 : vector<16xf32>
      %add3A_686 = arith.addf %add3A_662, %mul3A_685 : vector<16xf32>
      %broadcast_in_dim3A_687 = arith.constant 27 : i32
      %broadcast_in_dim3A_688 = vector.broadcast %broadcast_in_dim3A_687 : i32 to vector<16xi32>
      %gather3A_689 = tpu.vector_load_idx %arg9[%add3A_528, %broadcast_in_dim3A_688] : memref<512x32xf32, #tpu.memory_space<vmem>>[vector<16xi32>, vector<16xi32>], vector<16xf32>,
      %gather3A_690 = tpu.vector_load_idx %arg10[%add3A_528, %broadcast_in_dim3A_688] : memref<512x32xf32, #tpu.memory_space<vmem>>[vector<16xi32>, vector<16xi32>], vector<16xf32>,
      %mul3A_691 = arith.mulf %gather3A_689, %gather3A_690 : vector<16xf32>
      %add3A_692 = arith.addf %add3A_668, %mul3A_691 : vector<16xf32>
      %broadcast_in_dim3A_693 = arith.constant 28 : i32
      %broadcast_in_dim3A_694 = vector.broadcast %broadcast_in_dim3A_693 : i32 to vector<16xi32>
      %gather3A_695 = tpu.vector_load_idx %arg9[%add3A_528, %broadcast_in_dim3A_694] : memref<512x32xf32, #tpu.memory_space<vmem>>[vector<16xi32>, vector<16xi32>], vector<16xf32>,
      %gather3A_696 = tpu.vector_load_idx %arg10[%add3A_528, %broadcast_in_dim3A_694] : memref<512x32xf32, #tpu.memory_space<vmem>>[vector<16xi32>, vector<16xi32>], vector<16xf32>,
      %mul3A_697 = arith.mulf %gather3A_695, %gather3A_696 : vector<16xf32>
      %add3A_698 = arith.addf %add3A_674, %mul3A_697 : vector<16xf32>
      %broadcast_in_dim3A_699 = arith.constant 29 : i32
      %broadcast_in_dim3A_700 = vector.broadcast %broadcast_in_dim3A_699 : i32 to vector<16xi32>
      %gather3A_701 = tpu.vector_load_idx %arg9[%add3A_528, %broadcast_in_dim3A_700] : memref<512x32xf32, #tpu.memory_space<vmem>>[vector<16xi32>, vector<16xi32>], vector<16xf32>,
      %gather3A_702 = tpu.vector_load_idx %arg10[%add3A_528, %broadcast_in_dim3A_700] : memref<512x32xf32, #tpu.memory_space<vmem>>[vector<16xi32>, vector<16xi32>], vector<16xf32>,
      %mul3A_703 = arith.mulf %gather3A_701, %gather3A_702 : vector<16xf32>
      %add3A_704 = arith.addf %add3A_680, %mul3A_703 : vector<16xf32>
      %broadcast_in_dim3A_705 = arith.constant 30 : i32
      %broadcast_in_dim3A_706 = vector.broadcast %broadcast_in_dim3A_705 : i32 to vector<16xi32>
      %gather3A_707 = tpu.vector_load_idx %arg9[%add3A_528, %broadcast_in_dim3A_706] : memref<512x32xf32, #tpu.memory_space<vmem>>[vector<16xi32>, vector<16xi32>], vector<16xf32>,
      %gather3A_708 = tpu.vector_load_idx %arg10[%add3A_528, %broadcast_in_dim3A_706] : memref<512x32xf32, #tpu.memory_space<vmem>>[vector<16xi32>, vector<16xi32>], vector<16xf32>,
      %mul3A_709 = arith.mulf %gather3A_707, %gather3A_708 : vector<16xf32>
      %add3A_710 = arith.addf %add3A_686, %mul3A_709 : vector<16xf32>
      %broadcast_in_dim3A_711 = arith.constant 31 : i32
      %broadcast_in_dim3A_712 = vector.broadcast %broadcast_in_dim3A_711 : i32 to vector<16xi32>
      %gather3A_713 = tpu.vector_load_idx %arg9[%add3A_528, %broadcast_in_dim3A_712] : memref<512x32xf32, #tpu.memory_space<vmem>>[vector<16xi32>, vector<16xi32>], vector<16xf32>,
      %gather3A_714 = tpu.vector_load_idx %arg10[%add3A_528, %broadcast_in_dim3A_712] : memref<512x32xf32, #tpu.memory_space<vmem>>[vector<16xi32>, vector<16xi32>], vector<16xf32>,
      %mul3A_715 = arith.mulf %gather3A_713, %gather3A_714 : vector<16xf32>
      %add3A_716 = arith.addf %add3A_692, %mul3A_715 : vector<16xf32>
      %mul3A_717 = arith.constant 16 : i32
      %mul3A_718 = arith.muli %scan3A_524, %mul3A_717 : i32
      %get3A_719 = arith.index_cast %mul3A_718 : i32 to index
      %get3A_720 = tpu.vector_load %arg11[%get3A_719] {strides = array<i32>} : memref<512xf32, #tpu.memory_space<vmem>>, vector<16xf32>,
      %mul3A_721 = arith.constant 16 : i32
      %mul3A_722 = arith.muli %scan3A_524, %mul3A_721 : i32
      %get3A_723 = arith.index_cast %mul3A_722 : i32 to index
      %get3A_724 = tpu.vector_load %arg12[%get3A_723] {strides = array<i32>} : memref<512xf32, #tpu.memory_space<vmem>>, vector<16xf32>,
      %add3A_725 = arith.addf %get3A_720, %get3A_724 : vector<16xf32>
      %add3A_726 = arith.addf %add3A_698, %add3A_704 : vector<16xf32>
      %add3A_727 = arith.addf %add3A_710, %add3A_716 : vector<16xf32>
      %add3A_728 = arith.addf %add3A_726, %add3A_727 : vector<16xf32>
      %add3A_729 = arith.addf %add3A_728, %add3A_725 : vector<16xf32>
      %mul3A_730 = arith.constant 16 : i32
      %mul3A_731 = arith.muli %scan3A_524, %mul3A_730 : i32
      %swap3A_732 = arith.index_cast %mul3A_731 : i32 to index
      %swap3A_733 = tpu.vector_load %arg13[%swap3A_732] {strides = array<i32>} : memref<512xf32, #tpu.memory_space<vmem>>, vector<16xf32>,
      tpu.vector_store %arg13[%swap3A_732], %add3A_729 {strides = array<i32>} : memref<512xf32, #tpu.memory_space<vmem>>, vector<16xf32>,
    }
    %scan3A_316 = arith.constant 32 : i32
    "tpu.region"() ({
      %run_scoped3A_317 = tpu.sem_alloc : memref<!tpu.dma_semaphore, #tpu.memory_space<semaphore_mem>>
      %dma_start3A_318 = tpu.memref_slice %arg6[%mul3A_2] : memref<16384xf32, #tpu.memory_space<hbm>> -> memref<512xf32, #tpu.memory_space<hbm>>
      %dma_start3A_319 = tpu.memref_slice %arg6[%mul3A_2] : memref<16384xf32, #tpu.memory_space<hbm>> -> memref<512xf32, #tpu.memory_space<hbm>>
      tpu.enqueue_dma source(%arg13 : memref<512xf32, #tpu.memory_space<vmem>>) target(%dma_start3A_319 : memref<512xf32, #tpu.memory_space<hbm>>) target_semaphore(%run_scoped3A_317 : memref<!tpu.dma_semaphore, #tpu.memory_space<semaphore_mem>>)
      %dma_wait3A_320 = tpu.memref_slice %arg6[%mul3A_2] : memref<16384xf32, #tpu.memory_space<hbm>> -> memref<512xf32, #tpu.memory_space<hbm>>
      %dma_wait3A_321 = tpu.memref_slice %arg6[%mul3A_2] : memref<16384xf32, #tpu.memory_space<hbm>> -> memref<512xf32, #tpu.memory_space<hbm>>
      tpu.wait_dma2 semaphore(%run_scoped3A_317 : memref<!tpu.dma_semaphore, #tpu.memory_space<semaphore_mem>>) src(%arg13 : memref<512xf32, #tpu.memory_space<vmem>>) dst(%dma_wait3A_321 : memref<512xf32, #tpu.memory_space<hbm>>)
      tpu.yield
    }) : () -> ()
    return
  }
}

</mosaic_0001>

<sc_bundles>
// kernel: kernel.3.cloned.1.call-start
scs
__scs_entry_jumppad:
0x0: {  	(pc) =	sbr.rel $0x88, $3  }
0x1: {  	(tag) =	ssettag $0x0;
	lr =	simm.s32 $0x1  }
0x2: {  	[smem:$0x3F9B] =	sst lr;
	_ =	strace $0xD0000000  }
0x3: {  	_ = 	snop  }
0x4: {  	_ = 	snop  }
0x5: {  	_ = 	snop  }
0x6: {  	_ = 	snop  }
0x7: {  	_ = 	snop  }
__scs_overlays_trampoline_lowered:
0x8: {  	[smem:$0x3FAA] =	sst s0  }
0x9: {  	[smem:$0x3FAB] =	sst s1  }
0xa: {  	[smem:$0x3FAC] =	sst s2  }
0xb: {  	[smem:$0x3FAD] =	sst s3  }
0xc: {  	[smem:$0x3FAE] =	sst s4  }
0xd: {  	[smem:$0x3FAF] =	sst s5  }
0xe: {  	[smem:$0x3FB0] =	sst s6  }
0xf: {  	[smem:$0x3FB1] =	sst s7  }
0x10: {  	[smem:$0x3FB2] =	sst s8  }
0x11: {  	[smem:$0x3FB3] =	sst s9;
	s0 =	simm.s32 @!p0 $0x0  }
0x12: {  	s1 =	sld [smem:$0x3F99];
	s0 =	simm.s32 @p0 $0x1  }
0x13: {  	[smem:$0x3FB4] =	sst s0;
	s0 =	simm.s32 @!p1 $0x0  }
0x14: {  	s2 =	sld [smem:$0x3F98];
	s0 =	simm.s32 @p1 $0x1  }
0x15: {  	[smem:$0x3FB5] =	sst s0;
	s0 =	simm.s32 @!p2 $0x0  }
0x16: {  	s3 =	sld [smem:$0x3FDB];
	s0 =	simm.s32 @p2 $0x1  }
0x17: {  	s4 =	simm.s32 $0x1BF5;
	[smem:$0x3FB7] =	sst s0  }
0x18: {  	s0 =	sld [smem:$0x3F9A];
	_ =	swait.ge [sflag:s4], $0x0  }
0x19: {  	s7 =	sld [smem:$0x3F9B]  }
0x1a: {  	s8 =	sadd.s32 $0xFFFFE003, lr  }
0x1b: {  	s9 =	sadd.s32 $0xFFFFFEF7, lr;
	s5 =	simm.s32 $0xFFFFFFFF;
	p2 =	slt.u32 s8, $0xFFFFF086  }
0x1c: {  	p1 =	slt.u32 s9, $0xF7A;
	s5 =	simm.s32 @!p2 $0x0  }
0x1d: {  	s5 =	simm.s32 @p1 $0x1;
	p0 =	seq.s32 s7, s2  }
0x1e: {  	s7 =	smul.u32 @!p0 $0xF7A, s2;
	p2 =	seq.s32 @!p0 s5, $0x0  }
0x1f: {  	s9 =	smul.u32 $0xF7A, s1;
	s8 =	simm.s32 @!p0 $0x1BF5;
	p2 =	por !p2, p0  }
0x20: {  	[sflag:s8] =	ssyncset.s32 @!p0 $0xFFFFF086;
	s6 =	sadd.s32 @!p0 s3, s7;
	s7 =	simm.s32 @!p0 $0x108  }
0x21: {  	s3 =	sadd.s32 s3, s9;
	s6 =	sadd.s32 @!p0 $0x88, s6;
	s7 =	simm.s32 @p2 $0x1082  }
0x22: {  	[simem:s7], [sflag:s8] =	dma.local @!p0 [hbm:s6], $0xF7A  }
0x23: {  	s9 =	sor.u32 $0xD0000000, s2;
	s6 =	simm.s32 $0x108;
	_ =	swait.ge @!p0 [sflag:s8], $0x0  }
0x24: {  	s3 =	sadd.s32 $0x88, s3;
	s6 =	simm.s32 @!p1 $0x1082;
	[sflag:s4] =	ssyncset.s32 $0xFFFFF086  }
0x25: {  	[simem:s6], [sflag:s4] =	dma.local [hbm:s3], $0xF7A  }
0x26: {  	[smem:$0x3F9B] =	sst s1;
	(tag) =	ssettag s2;
	_ =	strace s9  }
0x27: {  	s1 =	sld [smem:$0x3FAB]  }
0x28: {  	s2 =	sld [smem:$0x3FAC]  }
0x29: {  	s4 =	sld [smem:$0x3FAE]  }
0x2a: {  	p0 =	seq.s32 s5, $0x0;
	s5 =	sld [smem:$0x3FAF]  }
0x2b: {  	s6 =	sld [smem:$0x3FB0]  }
0x2c: {  	s7 =	sld [smem:$0x3FB1]  }
0x2d: {  	s3 =	simm.s32 $0x108;
	s8 =	sld [smem:$0x3FB2]  }
0x2e: {  	s3 =	simm.s32 @!p0 $0x1082;
	s9 =	sld [smem:$0x3FB3]  }
0x2f: {  	lr =	sadd.s32 s0, s3;
	s0 =	sld [smem:$0x3FAA]  }
0x30: {  	s3 =	sld [smem:$0x3FAD]  }
0x31: {  	[smem:$0x3FB6] =	sst s10  }
0x32: {  	s10 =	sld [smem:$0x3FB4];
	_ =	sdelay $0x3  }
0x33: {  	p0 =	seq.s32 s10, $0x1;
	s10 =	sld [smem:$0x3FB6];
	_ =	sdelay $0x3  }
0x34: {  	[smem:$0x3FB6] =	sst s10  }
0x35: {  	s10 =	sld [smem:$0x3FB5];
	_ =	sdelay $0x3  }
0x36: {  	p1 =	seq.s32 s10, $0x1;
	s10 =	sld [smem:$0x3FB6];
	_ =	sdelay $0x3  }
0x37: {  	[smem:$0x3FB6] =	sst s10  }
0x38: {  	s10 =	sld [smem:$0x3FB7]  }
0x39: {  	_ = 	snop;
	(pc) =	sbr.ind lr, $3  }
0x3a: {  	_ = 	snop  }
0x3b: {  	_ = 	snop  }
0x3c: {  	p2 =	seq.s32 s10, $0x1;
	s10 =	sld [smem:$0x3FB6]  }
0x3d: {  	_ =	shalt  }
0x3e: {  	_ =	shalt  }
0x3f: {  	_ =	shalt  }
0x40: {  	_ =	shalt  }
0x41: {  	_ =	shalt  }
0x42: {  	_ =	shalt  }
0x43: {  	_ =	shalt  }
0x44: {  	_ =	shalt  }
0x45: {  	_ =	shalt  }
0x46: {  	_ =	shalt  }
0x47: {  	_ =	shalt  }
0x48: {  	_ =	shalt  }
0x49: {  	_ =	shalt  }
0x4a: {  	_ =	shalt  }
0x4b: {  	_ =	shalt  }
0x4c: {  	_ =	shalt  }
0x4d: {  	_ =	shalt  }
0x4e: {  	_ =	shalt  }
0x4f: {  	_ =	shalt  }
0x50: {  	_ =	shalt  }
0x51: {  	_ =	shalt  }
0x52: {  	_ =	shalt  }
0x53: {  	_ =	shalt  }
0x54: {  	_ =	shalt  }
0x55: {  	_ =	shalt  }
0x56: {  	_ =	shalt  }
0x57: {  	_ =	shalt  }
0x58: {  	_ =	shalt  }
0x59: {  	_ =	shalt  }
0x5a: {  	_ =	shalt  }
0x5b: {  	_ =	shalt  }
0x5c: {  	_ =	shalt  }
0x5d: {  	_ =	shalt  }
0x5e: {  	_ =	shalt  }
0x5f: {  	_ =	shalt  }
0x60: {  	_ =	shalt  }
0x61: {  	_ =	shalt  }
0x62: {  	_ =	shalt  }
0x63: {  	_ =	shalt  }
0x64: {  	_ =	shalt  }
0x65: {  	_ =	shalt  }
0x66: {  	_ =	shalt  }
0x67: {  	_ =	shalt  }
0x68: {  	_ =	shalt  }
0x69: {  	_ =	shalt  }
0x6a: {  	_ =	shalt  }
0x6b: {  	_ =	shalt  }
0x6c: {  	_ =	shalt  }
0x6d: {  	_ =	shalt  }
0x6e: {  	_ =	shalt  }
0x6f: {  	_ =	shalt  }
0x70: {  	_ =	shalt  }
0x71: {  	_ =	shalt  }
0x72: {  	_ =	shalt  }
0x73: {  	_ =	shalt  }
0x74: {  	_ =	shalt  }
0x75: {  	_ =	shalt  }
0x76: {  	_ =	shalt  }
0x77: {  	_ =	shalt  }
0x78: {  	_ =	shalt  }
0x79: {  	_ =	shalt  }
0x7a: {  	_ =	shalt  }
0x7b: {  	_ =	shalt  }
0x7c: {  	_ =	shalt  }
0x7d: {  	_ =	shalt  }
0x7e: {  	_ =	shalt  }
0x7f: {  	_ =	shalt  }
0x80: {  	_ =	shalt  }
0x81: {  	_ =	shalt  }
0x82: {  	_ =	shalt  }
0x83: {  	_ =	shalt  }
0x84: {  	_ =	shalt  }
0x85: {  	_ =	shalt  }
0x86: {  	_ =	shalt  }
0x87: {  	_ =	shalt  }
.Lfunc_end0:
.L_simem_size_0:
called_computation.1_lowered:
.L_overlay_start_0:
0x88: {  	s2 =	sld [smem:$0x3FD9]  }
0x89: {  	s3 =	sld [smem:$0x3FFE];
	_ =	sdelay $0x1  }
0x8a: {  	s1 =	srdreg.scid  }
0x8b: {  	s0 =	sand.u32 $0x1, s1  }
0x8c: {  	s17 =	sshll.u32 s0, $0xA;
	s2 =	sadd.s32 s3, s2  }
0x8d: {  	s2 =	sadd.s32 s2, s17  }
0x8e: {  	[smem:$0x3FC2] =	sst s2  }
0x8f: {  	_ = 	snop  }
0x90: {  	s2 =	sld [smem:$0x3FC9]  }
0x91: {  	s18 =	sld [smem:$0x3FD0];
	(tm) =	ssettm $0x1  }
0x92: {  	s4 =	sld [smem:$0x3FFB];
	_ =	sdelay $0x3  }
0x93: {  	_ =	strace s4  }
0x94: {  	s4 =	sld [smem:$0x3FFC];
	_ =	sdelay $0x3  }
0x95: {  	_ =	strace s4  }
0x96: {  	s4 =	sld [smem:$0x3FFD];
	_ =	sdelay $0x3  }
0x97: {  	_ =	strace s4  }
0x98: {  	_ =	strace $0x8FFFFFFF  }
0x99: {  	s19 =	sld [smem:$0x3FDB];
	_ =	sdelay $0x1  }
0x9a: {  	s5 =	simm.s32 $_scs_section_size  }
0x9b: {  	s6 =	simm.s32 $_size__tile_overlayer_lowered;
	s7 =	simm.s32 $_tile_overlayer_lowered  }
0x9c: {  	s22 =	simm.s32 $0x1BFF;
	s21 =	sshll.u32 s7, $0x1;
	s4 =	sadd.s32 s5, s19  }
0x9d: {  	s8 =	simm.s32 $0x0;
	s20 =	sshll.u32 s6, $0x1;
	s6 =	sadd.s32 s21, s4  }
0x9e: {  	[timem:s8], [sflag:s22] =	dma.local [hbm:s6], s20  }
0x9f: {  	_ =	swait.ge [sflag:s22], s20  }
0xa0: {  	s5 =	ssub.s32 $0x0, s20;
	[sflag:s22] =	ssyncset.done $0x0  }
0xa1: {  	[sflag:s22] =	ssyncadd.s32 s5;
	_ =	sdelay $0x1  }
0xa2: {  	s23 =	simm.s32 $0x1B8B  }
0xa3: {  	_ =	swait.ge [sflag:s23], $0x1  }
0xa4: {  	[sflag:s23] =	ssyncset.done $0x0  }
0xa5: {  	s25 =	simm.s32 $0x1B8E;
	s24 =	sld [smem:$0x3FFE];
	[sflag:s23] =	ssyncadd.s32 $0xFFFFFFFF  }
0xa6: {  	s26 =	simm.s32 $execute0_lowered;
	[smem:$0x3FD2] =	sst s25  }
0xa7: {  	s6 =	sshll.u32 s26, $0x1;
	_ =	strace $0x80000049;
	[dreg:$0x1] =	wrdreg $0xFFFFFFFF  }
0xa8: {  	s28 =	simm.s32 $_size_execute0_lowered;
	s4 =	sadd.s32 s4, s6;
	[dreg:$0x0] =	wrdreg $0x0  }
0xa9: {  	s6 =	sshll.u32 s28, $0x1;
	[dreg:$0x2] =	wrdreg s4  }
0xaa: {  	[dreg:$0x3] =	wrdreg s6  }
0xab: {  	[dreg:$0x4] =	wrdreg $0xC0  }
0xac: {  	_ =	task [dreg:s8], $0x5FFFF  }
0xad: {  	[dreg:$0x1] =	wrdreg $0xFFFFFFFF  }
0xae: {  	[dreg:$0x0] =	wrdreg $0x60  }
0xaf: {  	[dreg:$0x2] =	wrdreg s2  }
0xb0: {  	[dreg:$0x3] =	wrdreg s24  }
0xb1: {  	[dreg:$0x4] =	wrdreg s18  }
0xb2: {  	[dreg:$0x5] =	wrdreg $0x9  }
0xb3: {  	_ =	task.clear_ibuf [dreg:s8], $0x6FFFF;
	_ =	strace $0x90000049  }
0xb4: {  	s29 =	simm.s32 $0x9;
	_ =	strace $0x8000004B  }
0xb5: {  	_ =	swait.ge [sflag:s29], $0x1  }
0xb6: {  	[sflag:s29] =	ssyncadd.s32 $0xFFFFFFFF  }
0xb7: {  	_ =	strace $0x9000004B  }
0xb8: {  	_ =	sfence  }
0xb9: {  	s30 =	sld [smem:$0x0];
	_ =	sdelay $0x2  }
0xba: {  	s31 =	sshll.u32 s1, $0xD;
	s1 =	sshrl.u32 s1, $0x2  }
0xbb: {  	s3 =	sand.u32 $0x4000, s31;
	s1 =	sadd.s32 s1, s30  }
0xbc: {  	s0 =	sor.u32 s3, s0;
	s1 =	sshll.u32 s1, $0x11  }
0xbd: {  	s0 =	sor.u32 s1, s0  }
0xbe: {  	s0 =	sadd.s32 $0x8F2B, s0  }
0xbf: {  	[sflag:s0] =	ssyncadd.remote.s32 $0x1  }
0xc0: {  	_ =	sfence.sel $0xFFFF  }
0xc1: {  	[dreg:$0x0] =	wrdreg $0xFFFFFFFF;
	(pc) =	sbr.abs _section_cstart, $3  }
0xc2: {  	[dreg:$0x1] =	wrdreg $0xFFFFFFFF  }
0xc3: {  	_ =	task.clear_ibuf [dreg:s8], $0x2FFFF;
	_ =	strace $0x9FFFFFFF  }
0xc4: {  	(tm) =	ssettm $0x7FFFFFFF  }
0xc5: {  	_ =	shalt  }
tec
execute0_lowered:
.L_overlay_start_1:
0x0: {  	(tag) =	ssettag $0x1  }
0x1: {  	s0 =	rddreg [dreg:$0x0]  }
0x2: {  	s2 =	rddreg [dreg:$0x1]  }
0x3: {  	s13 =	rddreg [dreg:$0x2];
	s1 =	simm.s32 $0x0  }
0x4: {  	s3 =	srdreg.scid;
	s4 =	stileid.u32;
	s16 =	simm.s32 $0x200  }
0x5: {  	s17 =	simm.s32 $0x80;
	s18 =	simm.s32 $0x280;
	s19 =	simm.s32 $0x100  }
0x6: {  	s20 =	simm.s32 $0x300;
	s21 =	simm.s32 $0x180;
	s22 =	simm.s32 $0x380  }
0x7: {  	s23 =	simm.s32 $0x400;
	s24 =	simm.s32 $0x4400;
	s25 =	simm.s32 $0x0  }
0x8: {  	[smem:$0x7FF] =	sst s1;
	s12 =	sadd.s32 $0x2663000, s2;
	s3 =	sand.u32 $0x1, s3  }
0x9: {  	s4 =	sshll.u32 s4, $0x7;
	_ =	strace $0x8000004A;
	s5 =	ssub.s32 $0x2, s3  }
0xa: {  	s6 =	sshll.u32 s3, $0x6;
	s3 =	sadd.s32 $0x400, s2;
	s7 =	sshrl.u32 s5, $0x1  }
0xb: {  	s14 =	sor.u32 s6, s4;
	s4 =	sadd.s32 $0x2625E00, s2;
	s31 =	ssub.s32 s5, s7  }
0xc: {  	s8 =	sor.u32 $0x10, s14;
	s5 =	sadd.s32 s0, s14;
	s6 =	sadd.s32 s12, s14  }
0xd: {  	s10 =	sor.u32 $0x20, s14;
	s15 =	sor.u32 $0x30, s14;
	s13 =	sadd.s32 s13, s14  }
0xe: {  	s7 =	sadd.s32 s0, s8;
	s8 =	sadd.s32 s12, s8;
	s9 =	sadd.s32 s0, s10  }
0xf: {  	v0 =	vlaneseq.u32;
	s10 =	sadd.s32 s12, s10;
	s11 =	sadd.s32 s0, s15;
	s12 =	sadd.s32 s12, s15  }
0x10: {  	v0 =	vmul.u32 $0x20, v0;
	s14 =	smax.u32 s31, $0x1;
	s15 =	simm.s32 $0x2;
	s0 =	simm.s32 $0x1  }
.LBB2_1:
0x11: {  	[tilespmem:s1], [sflag:$0x2] =	stream.linear.gather [hbm4b:s5+s1], $0x80, $0x38;
	[tilespmem:$0x8A00] =	vst v63  }
0x12: {  	_ =	swait.ge [sflag:s15], $0x80  }
0x13: {  	[sflag:s15] =	ssyncset.done $0x0  }
0x14: {  	[sflag:s15] =	ssyncadd.s32 $0xFFFFFF80  }
0x15: {  	[tilespmem:s16], [sflag:$0x2] =	stream.linear.gather [hbm4b:s6+s1], $0x80, $0x38;
	[tilespmem:$0x8A00] =	vst v63  }
0x16: {  	_ =	swait.ge [sflag:s15], $0x80  }
0x17: {  	[sflag:s15] =	ssyncset.done $0x0  }
0x18: {  	[sflag:s15] =	ssyncadd.s32 $0xFFFFFF80  }
0x19: {  	[tilespmem:s17], [sflag:$0x2] =	stream.linear.gather [hbm4b:s7+s1], $0x80, $0x38;
	[tilespmem:$0x8A00] =	vst v63  }
0x1a: {  	_ =	swait.ge [sflag:s15], $0x80  }
0x1b: {  	[sflag:s15] =	ssyncset.done $0x0  }
0x1c: {  	[sflag:s15] =	ssyncadd.s32 $0xFFFFFF80  }
0x1d: {  	[tilespmem:s18], [sflag:$0x2] =	stream.linear.gather [hbm4b:s8+s1], $0x80, $0x38;
	[tilespmem:$0x8A00] =	vst v63  }
0x1e: {  	_ =	swait.ge [sflag:s15], $0x80  }
0x1f: {  	[sflag:s15] =	ssyncset.done $0x0  }
0x20: {  	[sflag:s15] =	ssyncadd.s32 $0xFFFFFF80  }
0x21: {  	[tilespmem:s19], [sflag:$0x2] =	stream.linear.gather [hbm4b:s9+s1], $0x80, $0x38;
	[tilespmem:$0x8A00] =	vst v63  }
0x22: {  	_ =	swait.ge [sflag:s15], $0x80  }
0x23: {  	[sflag:s15] =	ssyncset.done $0x0  }
0x24: {  	[sflag:s15] =	ssyncadd.s32 $0xFFFFFF80  }
0x25: {  	[tilespmem:s20], [sflag:$0x2] =	stream.linear.gather [hbm4b:s10+s1], $0x80, $0x38;
	[tilespmem:$0x8A00] =	vst v63  }
0x26: {  	_ =	swait.ge [sflag:s15], $0x80  }
0x27: {  	[sflag:s15] =	ssyncset.done $0x0  }
0x28: {  	[sflag:s15] =	ssyncadd.s32 $0xFFFFFF80  }
0x29: {  	[tilespmem:s21], [sflag:$0x2] =	stream.linear.gather [hbm4b:s11+s1], $0x80, $0x38;
	[tilespmem:$0x8A00] =	vst v63  }
0x2a: {  	_ =	swait.ge [sflag:s15], $0x80  }
0x2b: {  	[sflag:s15] =	ssyncset.done $0x0  }
0x2c: {  	[sflag:s15] =	ssyncadd.s32 $0xFFFFFF80  }
0x2d: {  	[tilespmem:s22], [sflag:$0x2] =	stream.linear.gather [hbm4b:s12+s1], $0x80, $0x38;
	[tilespmem:$0x8A00] =	vst v63  }
0x2e: {  	_ =	swait.ge [sflag:s15], $0x80  }
0x2f: {  	[sflag:s15] =	ssyncset.done $0x0  }
0x30: {  	[sflag:s15] =	ssyncadd.s32 $0xFFFFFF80  }
0x31: {  	[tilespmem:s23], [sflag:$0x1] =	stream.indirect.gather [hbm4b:s3+s17], $0x20, s1, s17, $0xb8;
	[tilespmem:$0x8A00] =	vst v63  }
0x32: {  	_ = 	snop  }
0x33: {  	[tilespmem:s24], [sflag:$0x1] =	stream.indirect.gather [hbm4b:s3+s17], $0x20, s16, s17, $0xb8;
	[tilespmem:$0x8A00] =	vst v63  }
0x34: {  	s2 =	simm.s32 $0x8400  }
0x35: {  	[tilespmem:s2], [sflag:$0x1] =	stream.indirect.gather [hbm4b:s4+s17], $0x1, s1, s17, $0xb8;
	[tilespmem:$0x8A00] =	vst v63  }
0x36: {  	s26 =	simm.s32 $0x8600  }
0x37: {  	[tilespmem:s26], [sflag:$0x1] =	stream.indirect.gather [hbm4b:s4+s17], $0x1, s16, s17, $0xb8;
	[tilespmem:$0x8A00] =	vst v63  }
0x38: {  	s26 =	simm.s32 $0x1400  }
0x39: {  	[tilespmem:s26], [sflag:$0x1] =	stream.indirect.gather [hbm4b:s3+s17], $0x20, s17, s17, $0xb8;
	[tilespmem:$0x8A00] =	vst v63  }
0x3a: {  	s26 =	simm.s32 $0x5400  }
0x3b: {  	[tilespmem:s26], [sflag:$0x1] =	stream.indirect.gather [hbm4b:s3+s17], $0x20, s18, s17, $0xb8;
	[tilespmem:$0x8A00] =	vst v63  }
0x3c: {  	s26 =	simm.s32 $0x8480  }
0x3d: {  	[tilespmem:s26], [sflag:$0x1] =	stream.indirect.gather [hbm4b:s4+s17], $0x1, s17, s17, $0xb8;
	[tilespmem:$0x8A00] =	vst v63  }
0x3e: {  	s26 =	simm.s32 $0x8680  }
0x3f: {  	[tilespmem:s26], [sflag:$0x1] =	stream.indirect.gather [hbm4b:s4+s17], $0x1, s18, s17, $0xb8;
	[tilespmem:$0x8A00] =	vst v63  }
0x40: {  	s26 =	simm.s32 $0x2400  }
0x41: {  	[tilespmem:s26], [sflag:$0x1] =	stream.indirect.gather [hbm4b:s3+s17], $0x20, s19, s17, $0xb8;
	[tilespmem:$0x8A00] =	vst v63  }
0x42: {  	s26 =	simm.s32 $0x6400  }
0x43: {  	[tilespmem:s26], [sflag:$0x1] =	stream.indirect.gather [hbm4b:s3+s17], $0x20, s20, s17, $0xb8;
	[tilespmem:$0x8A00] =	vst v63  }
0x44: {  	s26 =	simm.s32 $0x8500  }
0x45: {  	[tilespmem:s26], [sflag:$0x1] =	stream.indirect.gather [hbm4b:s4+s17], $0x1, s19, s17, $0xb8;
	[tilespmem:$0x8A00] =	vst v63  }
0x46: {  	s26 =	simm.s32 $0x8700  }
0x47: {  	[tilespmem:s26], [sflag:$0x1] =	stream.indirect.gather [hbm4b:s4+s17], $0x1, s20, s17, $0xb8;
	[tilespmem:$0x8A00] =	vst v63  }
0x48: {  	s26 =	simm.s32 $0x3400  }
0x49: {  	[tilespmem:s26], [sflag:$0x1] =	stream.indirect.gather [hbm4b:s3+s17], $0x20, s21, s17, $0xb8;
	[tilespmem:$0x8A00] =	vst v63  }
0x4a: {  	s26 =	simm.s32 $0x7400  }
0x4b: {  	[tilespmem:s26], [sflag:$0x1] =	stream.indirect.gather [hbm4b:s3+s17], $0x20, s22, s17, $0xb8;
	[tilespmem:$0x8A00] =	vst v63  }
0x4c: {  	s26 =	simm.s32 $0x8580  }
0x4d: {  	[tilespmem:s26], [sflag:$0x1] =	stream.indirect.gather [hbm4b:s4+s17], $0x1, s21, s17, $0xb8;
	[tilespmem:$0x8A00] =	vst v63  }
0x4e: {  	s26 =	simm.s32 $0x8780  }
0x4f: {  	[tilespmem:s26], [sflag:$0x1] =	stream.indirect.gather [hbm4b:s4+s17], $0x1, s22, s17, $0xb8;
	[tilespmem:$0x8A00] =	vst v63  }
0x50: {  	_ =	swait.ge [sflag:s0], $0x1000  }
0x51: {  	[sflag:s0] =	ssyncset.done $0x0  }
0x52: {  	[sflag:s0] =	ssyncadd.s32 $0xFFFFF000  }
0x53: {  	_ =	swait.ge [sflag:s0], $0x1000  }
0x54: {  	[sflag:s0] =	ssyncset.done $0x0  }
0x55: {  	[sflag:s0] =	ssyncadd.s32 $0xFFFFF000  }
0x56: {  	_ =	swait.ge [sflag:s0], $0x80  }
0x57: {  	[sflag:s0] =	ssyncset.done $0x0  }
0x58: {  	[sflag:s0] =	ssyncadd.s32 $0xFFFFFF80  }
0x59: {  	_ =	swait.ge [sflag:s0], $0x80  }
0x5a: {  	[sflag:s0] =	ssyncset.done $0x0  }
0x5b: {  	[sflag:s0] =	ssyncadd.s32 $0xFFFFFF80  }
0x5c: {  	_ =	swait.ge [sflag:s0], $0x1000  }
0x5d: {  	[sflag:s0] =	ssyncset.done $0x0  }
0x5e: {  	[sflag:s0] =	ssyncadd.s32 $0xFFFFF000  }
0x5f: {  	_ =	swait.ge [sflag:s0], $0x1000  }
0x60: {  	[sflag:s0] =	ssyncset.done $0x0  }
0x61: {  	[sflag:s0] =	ssyncadd.s32 $0xFFFFF000  }
0x62: {  	_ =	swait.ge [sflag:s0], $0x80  }
0x63: {  	[sflag:s0] =	ssyncset.done $0x0  }
0x64: {  	[sflag:s0] =	ssyncadd.s32 $0xFFFFFF80  }
0x65: {  	_ =	swait.ge [sflag:s0], $0x80  }
0x66: {  	[sflag:s0] =	ssyncset.done $0x0  }
0x67: {  	[sflag:s0] =	ssyncadd.s32 $0xFFFFFF80  }
0x68: {  	_ =	swait.ge [sflag:s0], $0x1000  }
0x69: {  	[sflag:s0] =	ssyncset.done $0x0  }
0x6a: {  	[sflag:s0] =	ssyncadd.s32 $0xFFFFF000  }
0x6b: {  	_ =	swait.ge [sflag:s0], $0x1000  }
0x6c: {  	[sflag:s0] =	ssyncset.done $0x0  }
0x6d: {  	[sflag:s0] =	ssyncadd.s32 $0xFFFFF000  }
0x6e: {  	_ =	swait.ge [sflag:s0], $0x80  }
0x6f: {  	[sflag:s0] =	ssyncset.done $0x0  }
0x70: {  	[sflag:s0] =	ssyncadd.s32 $0xFFFFFF80  }
0x71: {  	_ =	swait.ge [sflag:s0], $0x80  }
0x72: {  	[sflag:s0] =	ssyncset.done $0x0  }
0x73: {  	[sflag:s0] =	ssyncadd.s32 $0xFFFFFF80  }
0x74: {  	_ =	swait.ge [sflag:s0], $0x1000  }
0x75: {  	[sflag:s0] =	ssyncset.done $0x0  }
0x76: {  	[sflag:s0] =	ssyncadd.s32 $0xFFFFF000  }
0x77: {  	_ =	swait.ge [sflag:s0], $0x1000  }
0x78: {  	[sflag:s0] =	ssyncset.done $0x0  }
0x79: {  	[sflag:s0] =	ssyncadd.s32 $0xFFFFF000  }
0x7a: {  	_ =	swait.ge [sflag:s0], $0x80  }
0x7b: {  	[sflag:s0] =	ssyncset.done $0x0  }
0x7c: {  	[sflag:s0] =	ssyncadd.s32 $0xFFFFFF80  }
0x7d: {  	s28 =	simm.s32 $0x8410;
	_ =	swait.ge [sflag:s0], $0x80  }
0x7e: {  	s29 =	simm.s32 $0x8610;
	s30 =	simm.s32 $0x8810;
	[sflag:s0] =	ssyncset.done $0x0  }
0x7f: {  	s31 =	simm.s32 $0x10;
	s26 =	simm.s32 $0xFFFFFFFE;
	[sflag:s0] =	ssyncadd.s32 $0xFFFFFF80  }
.LBB2_2:
0x80: {  	s2 =	sadd.s32 $0xFFFFFFF0, s31  }
0x81: {  	v1 =	vmov s2  }
0x82: {  	v1 =	vshll.u32 v1, $0x5  }
0x83: {  	v1 =	vor.u32 v0, v1;
	_ =	sdelay $0x1  }
0x84: {  	v2 =	vor.u32 $0x1, v1;
	_ =	sdelay $0x1  }
0x85: {  	v3 =	vor.u32 $0x2, v1  }
0x86: {  	v4 =	vld.idx.msk [tilespmem:v1+s23+$0x0], $0xffff  }
0x87: {  	v6 =	vor.u32 $0x3, v1;
	v5 =	vld.idx.msk [tilespmem:v1+s24+$0x0], $0xffff  }
0x88: {  	v7 =	vld.idx.msk [tilespmem:v2+s23+$0x0], $0xffff  }
0x89: {  	v8 =	vor.u32 $0x4, v1;
	v2 =	vld.idx.msk [tilespmem:v2+s24+$0x0], $0xffff  }
0x8a: {  	v9 =	vld.idx.msk [tilespmem:v3+s23+$0x0], $0xffff  }
0x8b: {  	v10 =	vor.u32 $0x5, v1;
	v3 =	vld.idx.msk [tilespmem:v3+s24+$0x0], $0xffff  }
0x8c: {  	v11 =	vld.idx.msk [tilespmem:v6+s23+$0x0], $0xffff  }
0x8d: {  	v12 =	vor.u32 $0x6, v1;
	v6 =	vld.idx.msk [tilespmem:v6+s24+$0x0], $0xffff  }
0x8e: {  	v13 =	vld.idx.msk [tilespmem:v8+s23+$0x0], $0xffff  }
0x8f: {  	v14 =	vor.u32 $0x7, v1;
	v8 =	vld.idx.msk [tilespmem:v8+s24+$0x0], $0xffff  }
0x90: {  	v15 =	vld.idx.msk [tilespmem:v10+s23+$0x0], $0xffff  }
0x91: {  	v16 =	vor.u32 $0x8, v1;
	v10 =	vld.idx.msk [tilespmem:v10+s24+$0x0], $0xffff  }
0x92: {  	v17 =	vld.idx.msk [tilespmem:v12+s23+$0x0], $0xffff  }
0x93: {  	v18 =	vor.u32 $0x9, v1;
	v12 =	vld.idx.msk [tilespmem:v12+s24+$0x0], $0xffff  }
0x94: {  	v19 =	vld.idx.msk [tilespmem:v14+s23+$0x0], $0xffff  }
0x95: {  	v20 =	vor.u32 $0xA, v1;
	v14 =	vld.idx.msk [tilespmem:v14+s24+$0x0], $0xffff  }
0x96: {  	v21 =	vld.idx.msk [tilespmem:v16+s23+$0x0], $0xffff  }
0x97: {  	v22 =	vor.u32 $0xB, v1;
	v16 =	vld.idx.msk [tilespmem:v16+s24+$0x0], $0xffff  }
0x98: {  	v23 =	vld.idx.msk [tilespmem:v18+s23+$0x0], $0xffff  }
0x99: {  	v24 =	vor.u32 $0xC, v1;
	v18 =	vld.idx.msk [tilespmem:v18+s24+$0x0], $0xffff  }
0x9a: {  	v25 =	vld.idx.msk [tilespmem:v20+s23+$0x0], $0xffff  }
0x9b: {  	v26 =	vor.u32 $0xD, v1;
	v20 =	vld.idx.msk [tilespmem:v20+s24+$0x0], $0xffff  }
0x9c: {  	v27 =	vld.idx.msk [tilespmem:v22+s23+$0x0], $0xffff  }
0x9d: {  	v28 =	vor.u32 $0xE, v1;
	v22 =	vld.idx.msk [tilespmem:v22+s24+$0x0], $0xffff  }
0x9e: {  	v29 =	vld.idx.msk [tilespmem:v24+s23+$0x0], $0xffff  }
0x9f: {  	v30 =	vor.u32 $0xF, v1;
	v24 =	vld.idx.msk [tilespmem:v24+s24+$0x0], $0xffff  }
0xa0: {  	v31 =	vld.idx.msk [tilespmem:v26+s23+$0x0], $0xffff  }
0xa1: {  	v32 =	vor.u32 $0x10, v1;
	v26 =	vld.idx.msk [tilespmem:v26+s24+$0x0], $0xffff  }
0xa2: {  	v33 =	vld.idx.msk [tilespmem:v28+s23+$0x0], $0xffff  }
0xa3: {  	v34 =	vor.u32 $0x11, v1;
	v28 =	vld.idx.msk [tilespmem:v28+s24+$0x0], $0xffff  }
0xa4: {  	v35 =	vld.idx.msk [tilespmem:v30+s23+$0x0], $0xffff  }
0xa5: {  	v36 =	vor.u32 $0x12, v1;
	v30 =	vld.idx.msk [tilespmem:v30+s24+$0x0], $0xffff  }
0xa6: {  	v37 =	vld.idx.msk [tilespmem:v32+s23+$0x0], $0xffff  }
0xa7: {  	v38 =	vor.u32 $0x13, v1;
	v32 =	vld.idx.msk [tilespmem:v32+s24+$0x0], $0xffff  }
0xa8: {  	v39 =	vld.idx.msk [tilespmem:v34+s23+$0x0], $0xffff  }
0xa9: {  	v40 =	vor.u32 $0x14, v1;
	v34 =	vld.idx.msk [tilespmem:v34+s24+$0x0], $0xffff  }
0xaa: {  	v41 =	vld.idx.msk [tilespmem:v36+s23+$0x0], $0xffff  }
0xab: {  	v42 =	vor.u32 $0x15, v1;
	v36 =	vld.idx.msk [tilespmem:v36+s24+$0x0], $0xffff  }
0xac: {  	v43 =	vld.idx.msk [tilespmem:v38+s23+$0x0], $0xffff  }
0xad: {  	v44 =	vor.u32 $0x16, v1;
	v38 =	vld.idx.msk [tilespmem:v38+s24+$0x0], $0xffff  }
0xae: {  	v45 =	vld.idx.msk [tilespmem:v40+s23+$0x0], $0xffff  }
0xaf: {  	v46 =	vor.u32 $0x17, v1;
	v40 =	vld.idx.msk [tilespmem:v40+s24+$0x0], $0xffff  }
0xb0: {  	v47 =	vld.idx.msk [tilespmem:v42+s23+$0x0], $0xffff  }
0xb1: {  	v62 =	vor.u32 $0x1C, v1;
	v42 =	vld.idx.msk [tilespmem:v42+s24+$0x0], $0xffff  }
0xb2: {  	v48 =	vor.u32 $0x18, v1;
	v49 =	vld.idx.msk [tilespmem:v44+s23+$0x0], $0xffff  }
0xb3: {  	v44 =	vld.idx.msk [tilespmem:v44+s24+$0x0], $0xffff  }
0xb4: {  	v50 =	vor.u32 $0x19, v1;
	v51 =	vld.idx.msk [tilespmem:v46+s23+$0x0], $0xffff  }
0xb5: {  	v46 =	vld.idx.msk [tilespmem:v46+s24+$0x0], $0xffff;
	v4 =	vmul.f32 v5, v4  }
0xb6: {  	v52 =	vor.u32 $0x1A, v1;
	v57 =	vld.idx.msk [tilespmem:v62+s23+$0x0], $0xffff;
	v2 =	vmul.f32 v2, v7;
	v3 =	vmul.f32 v3, v9  }
0xb7: {  	v5 =	vld.idx.msk [tilespmem:v48+s23+$0x0], $0xffff;
	v59 =	vmul.f32 v8, v13;
	v6 =	vmul.f32 v6, v11  }
0xb8: {  	v8 =	vld.idx.msk [tilespmem:v48+s24+$0x0], $0xffff;
	v10 =	vmul.f32 v10, v15;
	v61 =	vmul.f32 v12, v17  }
0xb9: {  	v60 =	vor.u32 $0x1B, v1;
	v11 =	vld.idx.msk [tilespmem:v50+s23+$0x0], $0xffff;
	v63 =	vmul.f32 v14, v19;
	v21 =	vmul.f32 v16, v21  }
0xba: {  	v12 =	vld.idx.msk [tilespmem:v50+s24+$0x0], $0xffff;
	v23 =	vmul.f32 v18, v23;
	v50 =	vmul.f32 v20, v25  }
0xbb: {  	v54 =	vor.u32 $0x1E, v1;
	v15 =	vld.idx.msk [tilespmem:v52+s23+$0x0], $0xffff;
	v53 =	vmul.f32 v22, v27;
	v55 =	vmul.f32 v24, v29  }
0xbc: {  	v16 =	vld.idx.msk [tilespmem:v52+s24+$0x0], $0xffff;
	v48 =	vor.u32 $0x1D, v1;
	v56 =	vmul.f32 v26, v31;
	v58 =	vmul.f32 v28, v33  }
0xbd: {  	v13 =	vld.idx.msk [tilespmem:v62+s24+$0x0], $0xffff;
	v1 =	vor.u32 $0x1F, v1;
	v62 =	vmul.f32 v34, v39;
	v24 =	vmul.f32 v38, v43  }
0xbe: {  	v52 =	vld.idx.msk [tilespmem:v60+s23+$0x0], $0xffff;
	v26 =	vmul.f32 v40, v45;
	v27 =	vmul.f32 v42, v47;
	v4 =	vadd.f32 v59, v4  }
0xbf: {  	v9 =	vld.idx.msk [tilespmem:v60+s24+$0x0], $0xffff;
	v29 =	vmul.f32 v44, v49;
	v2 =	vadd.f32 v10, v2;
	v3 =	vadd.f32 v61, v3  }
0xc0: {  	v25 =	vld.idx.msk [tilespmem:v54+s23+$0x0], $0xffff;
	v6 =	vadd.f32 v63, v6;
	v59 =	vmul.f32 v30, v35;
	v61 =	vmul.f32 v32, v37  }
0xc1: {  	v18 =	vld.idx.msk [tilespmem:v54+s24+$0x0], $0xffff;
	v63 =	vmul.f32 v36, v41;
	v4 =	vadd.f32 v21, v4;
	v2 =	vadd.f32 v23, v2  }
0xc2: {  	v30 =	vmul.f32 v46, v51;
	v3 =	vadd.f32 v50, v3;
	v6 =	vadd.f32 v53, v6;
	v60 =	vld.idx.msk [tilespmem:v48+s23+$0x0], $0xffff  }
0xc3: {  	v17 =	vld.idx.msk [tilespmem:v48+s24+$0x0], $0xffff;
	v5 =	vmul.f32 v8, v5;
	v4 =	vadd.f32 v55, v4;
	v2 =	vadd.f32 v56, v2  }
0xc4: {  	v28 =	vld.idx.msk [tilespmem:v1+s23+$0x0], $0xffff;
	v31 =	vmul.f32 v12, v11;
	v3 =	vadd.f32 v58, v3;
	v6 =	vadd.f32 v59, v6  }
0xc5: {  	v1 =	vld.idx.msk [tilespmem:v1+s24+$0x0], $0xffff;
	v32 =	vmul.f32 v16, v15;
	v4 =	vadd.f32 v61, v4;
	v2 =	vadd.f32 v62, v2  }
0xc6: {  	v33 =	vmul.f32 v9, v52;
	v3 =	vadd.f32 v63, v3;
	v6 =	vadd.f32 v24, v6  }
0xc7: {  	v34 =	vmul.f32 v13, v57;
	v4 =	vadd.f32 v26, v4;
	v2 =	vadd.f32 v27, v2  }
0xc8: {  	v36 =	vmul.f32 v18, v25;
	v3 =	vadd.f32 v29, v3;
	v6 =	vadd.f32 v30, v6  }
0xc9: {  	v35 =	vmul.f32 v17, v60;
	v4 =	vadd.f32 v5, v4;
	v2 =	vadd.f32 v31, v2  }
0xca: {  	v38 =	vld [tilespmem:s29+$0xFFFFFFF0];
	v1 =	vmul.f32 v1, v28;
	v3 =	vadd.f32 v32, v3;
	v5 =	vadd.f32 v33, v6  }
0xcb: {  	v37 =	vld [tilespmem:s28+$0xFFFFFFF0];
	v4 =	vadd.f32 v34, v4;
	v2 =	vadd.f32 v35, v2  }
0xcc: {  	v3 =	vadd.f32 v36, v3;
	v1 =	vadd.f32 v1, v5;
	_ =	sdelay $0x1  }
0xcd: {  	v2 =	vadd.f32 v2, v4;
	v1 =	vadd.f32 v1, v3;
	v3 =	vmov s31  }
0xce: {  	v3 =	vshll.u32 v3, $0x5  }
0xcf: {  	v39 =	vadd.f32 v38, v37;
	v1 =	vadd.f32 v1, v2;
	v2 =	vor.u32 v0, v3;
	_ =	sdelay $0x1  }
0xd0: {  	v3 =	vor.u32 $0x1, v2;
	v1 =	vadd.f32 v1, v39;
	_ =	sdelay $0x1  }
0xd1: {  	v40 =	vor.u32 $0x3, v2;
	[tilespmem:s30+$0xFFFFFFF0] =	vst v1  }
0xd2: {  	v4 =	vld.idx.msk [tilespmem:v2+s23+$0x0], $0xffff  }
0xd3: {  	v41 =	vor.u32 $0x4, v2;
	v5 =	vld.idx.msk [tilespmem:v2+s24+$0x0], $0xffff  }
0xd4: {  	v7 =	vld.idx.msk [tilespmem:v3+s23+$0x0], $0xffff  }
0xd5: {  	v42 =	vor.u32 $0x5, v2;
	v3 =	vld.idx.msk [tilespmem:v3+s24+$0x0], $0xffff  }
0xd6: {  	v11 =	vld.idx.msk [tilespmem:v40+s23+$0x0], $0xffff  }
0xd7: {  	v43 =	vor.u32 $0x6, v2;
	v6 =	vld.idx.msk [tilespmem:v40+s24+$0x0], $0xffff  }
0xd8: {  	v13 =	vld.idx.msk [tilespmem:v41+s23+$0x0], $0xffff  }
0xd9: {  	v44 =	vor.u32 $0x7, v2;
	v8 =	vld.idx.msk [tilespmem:v41+s24+$0x0], $0xffff  }
0xda: {  	v15 =	vld.idx.msk [tilespmem:v42+s23+$0x0], $0xffff  }
0xdb: {  	v45 =	vor.u32 $0x8, v2;
	v10 =	vld.idx.msk [tilespmem:v42+s24+$0x0], $0xffff  }
0xdc: {  	v17 =	vld.idx.msk [tilespmem:v43+s23+$0x0], $0xffff  }
0xdd: {  	v46 =	vor.u32 $0x9, v2;
	v12 =	vld.idx.msk [tilespmem:v43+s24+$0x0], $0xffff  }
0xde: {  	v19 =	vld.idx.msk [tilespmem:v44+s23+$0x0], $0xffff  }
0xdf: {  	v47 =	vor.u32 $0xA, v2;
	v14 =	vld.idx.msk [tilespmem:v44+s24+$0x0], $0xffff  }
0xe0: {  	v21 =	vld.idx.msk [tilespmem:v45+s23+$0x0], $0xffff  }
0xe1: {  	v48 =	vor.u32 $0xB, v2;
	v16 =	vld.idx.msk [tilespmem:v45+s24+$0x0], $0xffff  }
0xe2: {  	v23 =	vld.idx.msk [tilespmem:v46+s23+$0x0], $0xffff  }
0xe3: {  	v49 =	vor.u32 $0xC, v2;
	v18 =	vld.idx.msk [tilespmem:v46+s24+$0x0], $0xffff  }
0xe4: {  	v25 =	vld.idx.msk [tilespmem:v47+s23+$0x0], $0xffff  }
0xe5: {  	v50 =	vor.u32 $0xD, v2;
	v20 =	vld.idx.msk [tilespmem:v47+s24+$0x0], $0xffff  }
0xe6: {  	v27 =	vld.idx.msk [tilespmem:v48+s23+$0x0], $0xffff  }
0xe7: {  	v51 =	vor.u32 $0xE, v2;
	v22 =	vld.idx.msk [tilespmem:v48+s24+$0x0], $0xffff  }
0xe8: {  	v29 =	vld.idx.msk [tilespmem:v49+s23+$0x0], $0xffff  }
0xe9: {  	v52 =	vor.u32 $0xF, v2;
	v24 =	vld.idx.msk [tilespmem:v49+s24+$0x0], $0xffff  }
0xea: {  	v31 =	vld.idx.msk [tilespmem:v50+s23+$0x0], $0xffff  }
0xeb: {  	v53 =	vor.u32 $0x10, v2;
	v26 =	vld.idx.msk [tilespmem:v50+s24+$0x0], $0xffff  }
0xec: {  	v33 =	vld.idx.msk [tilespmem:v51+s23+$0x0], $0xffff  }
0xed: {  	v54 =	vor.u32 $0x11, v2;
	v28 =	vld.idx.msk [tilespmem:v51+s24+$0x0], $0xffff  }
0xee: {  	v35 =	vld.idx.msk [tilespmem:v52+s23+$0x0], $0xffff  }
0xef: {  	v55 =	vor.u32 $0x12, v2;
	v30 =	vld.idx.msk [tilespmem:v52+s24+$0x0], $0xffff  }
0xf0: {  	v37 =	vld.idx.msk [tilespmem:v53+s23+$0x0], $0xffff  }
0xf1: {  	v56 =	vor.u32 $0x13, v2;
	v32 =	vld.idx.msk [tilespmem:v53+s24+$0x0], $0xffff  }
0xf2: {  	v39 =	vld.idx.msk [tilespmem:v54+s23+$0x0], $0xffff  }
0xf3: {  	v57 =	vor.u32 $0x14, v2;
	v34 =	vld.idx.msk [tilespmem:v54+s24+$0x0], $0xffff  }
0xf4: {  	v41 =	vld.idx.msk [tilespmem:v55+s23+$0x0], $0xffff  }
0xf5: {  	v58 =	vor.u32 $0x15, v2;
	v36 =	vld.idx.msk [tilespmem:v55+s24+$0x0], $0xffff  }
0xf6: {  	v43 =	vld.idx.msk [tilespmem:v56+s23+$0x0], $0xffff  }
0xf7: {  	v59 =	vor.u32 $0x16, v2;
	v38 =	vld.idx.msk [tilespmem:v56+s24+$0x0], $0xffff  }
0xf8: {  	v45 =	vld.idx.msk [tilespmem:v57+s23+$0x0], $0xffff  }
0xf9: {  	v60 =	vor.u32 $0x17, v2;
	v40 =	vld.idx.msk [tilespmem:v57+s24+$0x0], $0xffff  }
0xfa: {  	v47 =	vld.idx.msk [tilespmem:v58+s23+$0x0], $0xffff  }
0xfb: {  	v63 =	vor.u32 $0x1A, v2;
	v42 =	vld.idx.msk [tilespmem:v58+s24+$0x0], $0xffff  }
0xfc: {  	v1 =	vor.u32 $0x2, v2;
	v49 =	vld.idx.msk [tilespmem:v59+s23+$0x0], $0xffff  }
0xfd: {  	v44 =	vld.idx.msk [tilespmem:v59+s24+$0x0], $0xffff  }
0xfe: {  	v61 =	vor.u32 $0x18, v2;
	v51 =	vld.idx.msk [tilespmem:v60+s23+$0x0], $0xffff  }
0xff: {  	v46 =	vld.idx.msk [tilespmem:v60+s24+$0x0], $0xffff  }
0x100: {  	v62 =	vor.u32 $0x19, v2;
	v58 =	vld.idx.msk [tilespmem:v63+s24+$0x0], $0xffff  }
0x101: {  	v9 =	vld.idx.msk [tilespmem:v1+s23+$0x0], $0xffff;
	v4 =	vmul.f32 v5, v4;
	v3 =	vmul.f32 v3, v7  }
0x102: {  	v1 =	vld.idx.msk [tilespmem:v1+s24+$0x0], $0xffff;
	v13 =	vmul.f32 v8, v13;
	v6 =	vmul.f32 v6, v11  }
0x103: {  	v48 =	vor.u32 $0x1B, v2;
	v5 =	vld.idx.msk [tilespmem:v61+s23+$0x0], $0xffff;
	v10 =	vmul.f32 v10, v15;
	v53 =	vmul.f32 v12, v17  }
0x104: {  	v54 =	vor.u32 $0x1C, v2;
	v8 =	vld.idx.msk [tilespmem:v61+s24+$0x0], $0xffff;
	v55 =	vmul.f32 v14, v19;
	v56 =	vmul.f32 v16, v21  }
0x105: {  	v59 =	vor.u32 $0x1D, v2;
	v11 =	vld.idx.msk [tilespmem:v62+s23+$0x0], $0xffff;
	v57 =	vmul.f32 v18, v23;
	v60 =	vmul.f32 v20, v25  }
0x106: {  	v12 =	vld.idx.msk [tilespmem:v62+s24+$0x0], $0xffff;
	v62 =	vmul.f32 v22, v27;
	v25 =	vmul.f32 v24, v29  }
0x107: {  	v15 =	vld.idx.msk [tilespmem:v63+s23+$0x0], $0xffff;
	v27 =	vmul.f32 v26, v31;
	v31 =	vmul.f32 v28, v33  }
0x108: {  	v61 =	vld.idx.msk [tilespmem:v48+s23+$0x0], $0xffff;
	v33 =	vmul.f32 v30, v35;
	v37 =	vmul.f32 v32, v37  }
0x109: {  	v63 =	vor.u32 $0x1E, v2;
	v29 =	vld.idx.msk [tilespmem:v54+s23+$0x0], $0xffff;
	v39 =	vmul.f32 v34, v39;
	v41 =	vmul.f32 v36, v41  }
0x10a: {  	v2 =	vor.u32 $0x1F, v2;
	v35 =	vld.idx.msk [tilespmem:v59+s23+$0x0], $0xffff;
	v43 =	vmul.f32 v38, v43;
	v1 =	vmul.f32 v1, v9  }
0x10b: {  	v17 =	vld.idx.msk [tilespmem:v59+s24+$0x0], $0xffff;
	v50 =	vmul.f32 v40, v45;
	v4 =	vadd.f32 v13, v4;
	v3 =	vadd.f32 v10, v3  }
0x10c: {  	v52 =	vmul.f32 v42, v47;
	v6 =	vadd.f32 v55, v6;
	v13 =	vld.idx.msk [tilespmem:v54+s24+$0x0], $0xffff;
	v1 =	vadd.f32 v53, v1  }
0x10d: {  	v54 =	vmul.f32 v44, v49;
	v9 =	vld.idx.msk [tilespmem:v48+s24+$0x0], $0xffff;
	v4 =	vadd.f32 v56, v4;
	v3 =	vadd.f32 v57, v3  }
0x10e: {  	v55 =	vmul.f32 v46, v51;
	v6 =	vadd.f32 v62, v6;
	v48 =	vld.idx.msk [tilespmem:v63+s23+$0x0], $0xffff;
	v1 =	vadd.f32 v60, v1  }
0x10f: {  	v18 =	vld.idx.msk [tilespmem:v63+s24+$0x0], $0xffff;
	v5 =	vmul.f32 v8, v5;
	v4 =	vadd.f32 v25, v4;
	v3 =	vadd.f32 v27, v3  }
0x110: {  	v53 =	vld.idx.msk [tilespmem:v2+s23+$0x0], $0xffff;
	v56 =	vmul.f32 v12, v11;
	v6 =	vadd.f32 v33, v6;
	v1 =	vadd.f32 v31, v1  }
0x111: {  	v2 =	vld.idx.msk [tilespmem:v2+s24+$0x0], $0xffff;
	v57 =	vmul.f32 v58, v15;
	v4 =	vadd.f32 v37, v4;
	v3 =	vadd.f32 v39, v3  }
0x112: {  	v59 =	vmul.f32 v13, v29;
	v6 =	vadd.f32 v43, v6;
	v1 =	vadd.f32 v41, v1  }
0x113: {  	v60 =	vmul.f32 v17, v35;
	v4 =	vadd.f32 v50, v4;
	v3 =	vadd.f32 v52, v3  }
0x114: {  	v58 =	vmul.f32 v9, v61;
	v6 =	vadd.f32 v55, v6;
	v1 =	vadd.f32 v54, v1  }
0x115: {  	v61 =	vmul.f32 v18, v48;
	v4 =	vadd.f32 v5, v4;
	v3 =	vadd.f32 v56, v3  }
0x116: {  	v62 =	vld [tilespmem:s28+$0x0];
	v2 =	vmul.f32 v2, v53;
	v5 =	vadd.f32 v58, v6;
	v1 =	vadd.f32 v57, v1  }
0x117: {  	v63 =	vld [tilespmem:s29+$0x0];
	v4 =	vadd.f32 v59, v4;
	v3 =	vadd.f32 v60, v3  }
0x118: {  	v2 =	vadd.f32 v2, v5;
	v1 =	vadd.f32 v61, v1;
	_ =	sdelay $0x1  }
0x119: {  	s26 =	sadd.s32 $0x2, s26;
	v3 =	vadd.f32 v3, v4;
	v1 =	vadd.f32 v2, v1  }
0x11a: {  	p0 =	slt.u32 s26, $0x1E  }
.Ltmp0:
0x11b: {  	v2 =	vadd.f32 v63, v62;
	v1 =	vadd.f32 v1, v3;
	(pc) =	sbr.rel @p0 .LBB2_2-.Ltmp0, $4  }
0x11c: {  	_ = 	snop  }
0x11d: {  	v1 =	vadd.f32 v1, v2  }
0x11e: {  	s31 =	sadd.s32 $0x20, s31  }
0x11f: {  	s28 =	sadd.s32 $0x20, s28;
	s29 =	sadd.s32 $0x20, s29;
	[tilespmem:s30+$0x0] =	vst v1;
	s30 =	sadd.s32 $0x20, s30  }
0x120: {  	s25 =	sadd.s32 $0x1, s25  }
0x121: {  	p0 =	sne.s32 s25, s14  }
.Ltmp1:
0x122: {  	s2 =	simm.s32 $0x8800;
	(pc) =	sbr.rel @p0 .LBB2_1-.Ltmp1, $4  }
0x123: {  	[hbm4b:s13+s1] =	stream.linear.scatter [tilespmem:s2], [sflag:$0x2], $0x200, $0x38;
	[tilespmem:$0x8A00] =	vst v63  }
0x124: {  	_ =	swait.ge [sflag:s15], $0x200  }
0x125: {  	[sflag:s15] =	ssyncset.done $0x0  }
0x126: {  	[sflag:s15] =	ssyncadd.s32 $0xFFFFFE00  }
0x127: {  	_ =	sfence.sel $0x180000  }
0x128: {  	[bflag:$0x0] =	sbarrier.arrive $0xFFFF  }
0x129: {  	_ =	strace $0x9000004A  }
0x12a: {  	s0 =	stileid.u32;
	[bflag:$0x2] =	sbarrier.arrive $0xFFFF  }
0x12b: {  	p0 =	sne.s32 s0, $0x0;
	s0 =	rddreg [dreg:$0x3]  }
0x12c: {  	s0 =	sadd.s32 @!p0 $0x100000, s0  }
0x12d: {  	[sflag:s0] =	ssyncadd.tile.s32 @!p0 $0x1;
	_ =	shalt  }
.Lfunc_end2:
_tile_overlayer_lowered:
.L_overlay_start_2:
0x12e: {  	(tag) =	ssettag $0x2  }
0x12f: {  	s0 =	rddreg [dreg:$0x0];
	s2 =	stileid.u32  }
0x130: {  	s1 =	rddreg [dreg:$0x1];
	p0 =	sne.s32 s2, $0x0  }
0x131: {  	s3 =	rddreg [dreg:$0x2];
	[bflag:$0x3] =	sbarrier.arrive $0xFFFF;
	s2 =	simm.s32 @!p0 $0x1C02  }
0x132: {  	[timem:s3], [sflag:s2] =	dma.local @!p0 [hbm:s0], s1  }
0x133: {  	s0 =	simm.s32 @!p0 $0x2  }
0x134: {  	_ =	swait.ge @!p0 [sflag:s0], s1  }
0x135: {  	s1 =	ssub.s32 @!p0 $0x0, s1;
	[sflag:s0] =	ssyncset.done @!p0 $0x0  }
0x136: {  	[sflag:s0] =	ssyncadd.s32 @!p0 s1  }
0x137: {  	[bflag:$0x3] =	sbarrier.arrive $0xFFFF  }
0x138: {  	_ =	shalt  }

// kernel: sparse-core-data-format-call.cloned.1.call-start
scs
called_computation_lowered:
.L_overlay_start_0:
0x0: {  	s1 =	sld [smem:$0x3FD9]  }
0x1: {  	s2 =	sld [smem:$0x3FFE];
	_ =	sdelay $0x1  }
0x2: {  	s3 =	srdreg.scid  }
0x3: {  	s0 =	sand.u32 $0x1, s3  }
0x4: {  	s17 =	sshll.u32 s0, $0xA;
	s1 =	sadd.s32 s2, s1  }
0x5: {  	s1 =	sadd.s32 s1, s17  }
0x6: {  	[smem:$0x3FC2] =	sst s1  }
0x7: {  	_ = 	snop  }
0x8: {  	(tm) =	ssettm $0x1  }
0x9: {  	s18 =	sld [smem:$0x3FFB];
	_ =	sdelay $0x3  }
0xa: {  	_ =	strace s18  }
0xb: {  	s1 =	sld [smem:$0x3FFC];
	_ =	sdelay $0x3  }
0xc: {  	_ =	strace s1  }
0xd: {  	s1 =	sld [smem:$0x3FFD];
	_ =	sdelay $0x3  }
0xe: {  	_ =	strace s1  }
0xf: {  	_ =	strace $0x8FFFFFFF  }
0x10: {  	s19 =	sld [smem:$0x3FDB];
	_ =	sdelay $0x1  }
0x11: {  	s20 =	simm.s32 $_scs_section_size  }
0x12: {  	s4 =	simm.s32 $_size__tile_overlayer_lowered;
	s5 =	simm.s32 $_tile_overlayer_lowered  }
0x13: {  	s23 =	simm.s32 $0x1BFF;
	s22 =	sshll.u32 s5, $0x1;
	s1 =	sadd.s32 s20, s19  }
0x14: {  	s6 =	simm.s32 $0x0;
	s21 =	sshll.u32 s4, $0x1;
	s4 =	sadd.s32 s22, s1  }
0x15: {  	[timem:s6], [sflag:s23] =	dma.local [hbm:s4], s21  }
0x16: {  	_ =	swait.ge [sflag:s23], s21  }
0x17: {  	s2 =	ssub.s32 $0x0, s21;
	[sflag:s23] =	ssyncset.done $0x0  }
0x18: {  	[sflag:s23] =	ssyncadd.s32 s2;
	_ =	sdelay $0x1  }
0x19: {  	s24 =	simm.s32 $0x1B8B  }
0x1a: {  	_ =	swait.ge [sflag:s24], $0x1  }
0x1b: {  	[sflag:s24] =	ssyncset.done $0x0  }
0x1c: {  	s26 =	simm.s32 $0x1B8E;
	s25 =	sld [smem:$0x3FFE];
	[sflag:s24] =	ssyncadd.s32 $0xFFFFFFFF  }
0x1d: {  	s27 =	simm.s32 $execute0_lowered;
	[smem:$0x3FD2] =	sst s26  }
0x1e: {  	s4 =	sshll.u32 s27, $0x1;
	_ =	strace $0x80000046;
	[dreg:$0x1] =	wrdreg $0xFFFFFFFF  }
0x1f: {  	s28 =	simm.s32 $_size_execute0_lowered;
	s1 =	sadd.s32 s1, s4;
	[dreg:$0x0] =	wrdreg $0x0  }
0x20: {  	s4 =	sshll.u32 s28, $0x1;
	[dreg:$0x2] =	wrdreg s1  }
0x21: {  	[dreg:$0x3] =	wrdreg s4  }
0x22: {  	[dreg:$0x4] =	wrdreg $0xC0  }
0x23: {  	_ =	task [dreg:s6], $0x5FFFF  }
0x24: {  	[dreg:$0x1] =	wrdreg $0xFFFFFFFF  }
0x25: {  	[dreg:$0x0] =	wrdreg $0x60  }
0x26: {  	[dreg:$0x2] =	wrdreg s25  }
0x27: {  	[dreg:$0x3] =	wrdreg $0x9  }
0x28: {  	_ =	task.clear_ibuf [dreg:s6], $0x4FFFF;
	_ =	strace $0x90000046  }
0x29: {  	s29 =	simm.s32 $0x9;
	_ =	strace $0x80000048  }
0x2a: {  	_ =	swait.ge [sflag:s29], $0x1  }
0x2b: {  	[sflag:s29] =	ssyncadd.s32 $0xFFFFFFFF  }
0x2c: {  	_ =	strace $0x90000048  }
0x2d: {  	_ =	sfence  }
0x2e: {  	s30 =	sld [smem:$0x0];
	_ =	sdelay $0x2  }
0x2f: {  	s31 =	sshll.u32 s3, $0xD;
	s3 =	sshrl.u32 s3, $0x2  }
0x30: {  	s2 =	sand.u32 $0x4000, s31;
	s1 =	sadd.s32 s3, s30  }
0x31: {  	s0 =	sor.u32 s2, s0;
	s1 =	sshll.u32 s1, $0x11  }
0x32: {  	s0 =	sor.u32 s1, s0  }
0x33: {  	s0 =	sadd.s32 $0x8F2B, s0  }
0x34: {  	[sflag:s0] =	ssyncadd.remote.s32 $0x1  }
0x35: {  	_ =	sfence.sel $0xFFFF  }
0x36: {  	[dreg:$0x0] =	wrdreg $0xFFFFFFFF;
	(pc) =	sbr.abs _section_cstart, $3  }
0x37: {  	[dreg:$0x1] =	wrdreg $0xFFFFFFFF  }
0x38: {  	_ =	task.clear_ibuf [dreg:s6], $0x2FFFF;
	_ =	strace $0x9FFFFFFF  }
0x39: {  	(tm) =	ssettm $0x7FFFFFFF  }
tec
execute0_lowered:
.L_overlay_start_1:
0x0: {  	(tag) =	ssettag $0x1  }
0x1: {  	s0 =	srdreg.scid  }
0x2: {  	s6 =	rddreg [dreg:$0x0];
	s7 =	simm.s32 $0x1;
	s1 =	sshll.u32 s0, $0x4  }
0x3: {  	s8 =	simm.s32 $0x2;
	s0 =	stileid.u32;
	s1 =	sand.u32 $0x10, s1  }
0x4: {  	s13 =	simm.s32 $0x0;
	s12 =	simm.s32 $0x0;
	s1 =	sor.u32 s0, s1  }
0x5: {  	s10 =	simm.s32 $0x0;
	s3 =	sadd.s32 $0x400, s6;
	s2 =	sshll.u32 s1, $0x7  }
0x6: {  	s11 =	simm.s32 $0x0;
	s6 =	sadd.s32 $0x7A1600, s6;
	s5 =	ssub.s32 $0x1E8480, s2  }
.Ltmp0:
0x7: {  	s1 =	rddreg [dreg:$0x1];
	s4 =	sand.u32 $0xF80, s5;
	(pc) =	sbr.rel .LBB1_1-.Ltmp0, $4  }
0x8: {  	_ =	strace $0x80000047;
	s9 =	smov.u32 s2;
	p0 =	sne.s32 s4, $0x0  }
0x9: {  	s5 =	sshrl.u32 s5, $0xC;
	s4 =	simm.s32 $0x1;
	s7 =	simm.s32 @!p0 $0x0  }
0xa: {  	[sflag:s4] =	ssyncpa.u1 $0x0;
	p0 =	por $0x0, $0x0;
	s5 =	sadd.s32 s7, s5  }
0xb: {  	[sflag:s8] =	ssyncpa.u1 $0x0;
	s8 =	simm.s32 $0x80;
	s7 =	sadd.s32 $0x1, s5  }
.LBB1_4:
0xc: {  	s13 =	sshll.u32 s13, $0x7;
	s19 =	sshll.u32 s12, $0x3  }
0xd: {  	v5 =	vld [tilespmem:s17+$0xFFFFFFD0];
	[tilespmem:s16+$0x840 ss:$0x21] =	vst.msk $0xffff, v4;
	s20 =	sand.u32 $0xFFFFFC00, s13;
	s19 =	sand.u32 $0xFFFFFC00, s19  }
0xe: {  	v58 =	vld [tilespmem:s17+$0xFFFFFFE0];
	[tilespmem:s16+$0xA50 ss:$0x21] =	vst.msk $0xffff, v3;
	s13 =	sand.u32 $0x380, s13;
	s19 =	sadd.s32 s19, s20  }
0xf: {  	s18 =	sshra.s32 s18, $0x2;
	v59 =	vld [tilespmem:s17+$0xFFFFFFF0];
	[tilespmem:s16+$0xC60 ss:$0x21] =	vst.msk $0xffff, v2;
	s13 =	sor.u32 s13, s19  }
0x10: {  	v60 =	vld [tilespmem:s17+$0x0];
	[tilespmem:s16+$0x0 ss:$0x21] =	vst.msk $0xffff, v0;
	s15 =	sadd.s32 s18, s15;
	s13 =	sshrl.u32 s13, $0x7  }
0x11: {  	v61 =	vld [tilespmem:s17+$0x10];
	[tilespmem:s15+$0xE70 ss:$0x21] =	vst.msk $0xffff, v1;
	s28 =	smulhi.u32 $0x218DEF5, s13  }
0x12: {  	v62 =	vld [tilespmem:s17+$0x20];
	[tilespmem:s15+$0x210 ss:$0x21] =	vst.msk $0xffff, v5  }
0x13: {  	v63 =	vld [tilespmem:s17+$0xFFFFFFC0];
	[tilespmem:s15+$0x420 ss:$0x21] =	vst.msk $0xffff, v58;
	s16 =	sshrl.u32 s28, $0xE  }
0x14: {  	[tilespmem:s15+$0x630 ss:$0x21] =	vst.msk $0xffff, v59;
	s16 =	smul.u32 $0x1E8480, s16  }
0x15: {  	s29 =	sshrl.u32 s12, $0x3;
	[tilespmem:s15+$0x840 ss:$0x21] =	vst.msk $0xffff, v60  }
0x16: {  	s31 =	sand.u32 $0x7, s12;
	s30 =	sand.u32 $0xF, s29;
	[tilespmem:s15+$0xA50 ss:$0x21] =	vst.msk $0xffff, v61;
	s13 =	ssub.s32 s13, s16  }
0x17: {  	s12 =	sshll.u32 s31, $0x12;
	[tilespmem:s15+$0xC60 ss:$0x21] =	vst.msk $0xffff, v62;
	s16 =	sadd.s32 s6, s30;
	s13 =	sshll.u32 s13, $0x4  }
0x18: {  	s12 =	sor.u32 $0x20, s12;
	[tilespmem:s15+$0x0 ss:$0x21] =	vst.msk $0xffff, v63;
	s13 =	sadd.s32 s13, s16  }
0x19: {  	[hbm4b:s13+s12] =	stream.strided.scatter [tilespmem:s14], [sflag:$0x2], $0x1000, s8, s12, $0x10;
	[tilespmem:$0x4100] =	vst v63  }
.LBB1_5:
0x1a: {  	s14 =	sadd.s32 $0x1000, s9  }
0x1b: {  	s12 =	sadd.s32 $0x20, s10;
	s16 =	smov.u32 s10;
	p2 =	sgt.s32 s14, $0x1E847F  }
0x1c: {  	s16 =	smov.u32 @p2 s12  }
0x1d: {  	s14 =	smov.u32 @p2 s2;
	p2 =	sgt.s32 s16, $0x1F  }
0x1e: {  	s16 =	simm.s32 @p2 $0x0;
	p2 =	sne.s32 s11, s7  }
.Ltmp1:
0x1f: {  	p1 =	slt.u32 s11, $0x2;
	(pc) =	sbr.rel @!p2 .LBB1_6-.Ltmp1, $4  }
0x20: {  	s15 =	simm.s32 @!p1 $0x2  }
0x21: {  	s13 =	smov.u32 s9;
	p0 =	por !p0, !p0;
	_ =	swait.ge @!p1 [sflag:s15], $0x1000  }
0x22: {  	s12 =	smov.u32 s10;
	[sflag:s15] =	ssyncset.done @!p1 $0x0;
	s9 =	smov.u32 s14  }
0x23: {  	s11 =	sadd.s32 $0x1, s11;
	[sflag:s15] =	ssyncadd.s32 @!p1 $0xFFFFF000;
	s10 =	smov.u32 s16  }
.LBB1_1:
0x24: {  	p1 =	sge.u32 s11, s5  }
0x25: {  	s14 =	sshrl.u32 @!p1 s10, $0x3  }
0x26: {  	s15 =	sshll.u32 @!p1 s9, $0x3;
	s14 =	smul.u32 @!p1 $0xF42400, s14  }
0x27: {  	s16 =	sshll.u32 @!p1 s10, $0x7;
	s15 =	sand.u32 @!p1 $0xFFFFFC00, s15  }
0x28: {  	s14 =	sadd.s32 @!p1 s14, s15;
	s15 =	sand.u32 @!p1 $0x380, s16  }
0x29: {  	s16 =	sand.u32 @!p1 $0x7F, s9;
	s14 =	sor.u32 @!p1 s15, s14  }
0x2a: {  	s15 =	sor.u32 @!p1 s16, s14  }
0x2b: {  	s16 =	smulhi.u32 @!p1 $0x431BDE83, s15;
	_ =	sdelay $0x1  }
0x2c: {  	s14 =	smulhi.u32 @!p1 $0x431BDE83, s14;
	s16 =	sshrl.u32 @!p1 s16, $0x13  }
0x2d: {  	s16 =	smul.u32 @!p1 $0x1E8480, s16  }
0x2e: {  	s31 =	sadd.s32 $0xFFFFFFFF, s11;
	s17 =	sxor.u32 @!p1 $0xFFFFFFFF, s11;
	s14 =	sshrl.u32 @!p1 s14, $0x13  }
0x2f: {  	s17 =	sshll.u32 @!p1 s17, $0xC;
	s14 =	sand.u32 @!p1 $0x1F, s14;
	s15 =	ssub.s32 @!p1 s15, s16  }
0x30: {  	s14 =	smul.u32 @!p1 $0x3D090, s14;
	s16 =	sshrl.u32 @!p1 s15, $0x3;
	s15 =	sand.u32 @!p1 $0x7, s15  }
0x31: {  	s17 =	sand.u32 @!p1 $0x1000, s17;
	s16 =	sadd.s32 @!p1 s3, s16;
	s15 =	sshll.u32 @!p1 s15, $0x12  }
0x32: {  	s14 =	sadd.s32 @!p1 s14, s16;
	s15 =	sor.u32 @!p1 $0x400, s15;
	s16 =	simm.s32 @!p1 $0xF42400  }
0x33: {  	[tilespmem:s17], [sflag:$0x1] =	stream.strided.gather @!p1 [hbm4b:s14+s15], $0x1000, s16, s15, $0x38;
	[tilespmem:$0x4100] =	vst v63  }
0x34: {  	p1 =	sge.u32 s31, s5  }
.Ltmp2:
0x35: {  	_ = 	snop;
	(pc) =	sbr.rel @p1 .LBB1_5-.Ltmp2, $1  }
0x36: {  	_ =	sdelay $0x3  }
0x37: {  	s14 =	simm.s32 $0x1  }
0x38: {  	_ =	swait.ge [sflag:s4], $0x1000;
	s14 =	simm.s32 @!p0 $0x0  }
0x39: {  	[sflag:s4] =	ssyncset.done $0x0;
	s15 =	sshll.u32 s14, $0xC  }
0x3a: {  	[sflag:s4] =	ssyncadd.s32 $0xFFFFF000;
	s17 =	sor.u32 $0x40, s15  }
0x3b: {  	s14 =	smul.u32 $0x4200, s14;
	v0 =	vld [tilespmem:s17+$0x30]  }
0x3c: {  	v1 =	vld [tilespmem:s17+$0xFFFFFFD0]  }
0x3d: {  	s14 =	sshrl.u32 s14, $0x2;
	v5 =	vld [tilespmem:s17+$0xFFFFFFE0]  }
0x3e: {  	v6 =	vld [tilespmem:s17+$0xFFFFFFF0];
	s15 =	sor.u32 $0x2000, s14  }
0x3f: {  	s31 =	sand.u32 $0x1, s11;
	v4 =	vld [tilespmem:s17+$0x0];
	s16 =	sadd.s32 $0x0, s15  }
0x40: {  	v3 =	vld [tilespmem:s17+$0x10];
	s14 =	smul.u32 $0x4200, s31;
	[tilespmem:s16+$0xE70 ss:$0x21] =	vst.msk $0xffff, v0  }
0x41: {  	v2 =	vld [tilespmem:s17+$0x20];
	[tilespmem:s16+$0x210 ss:$0x21] =	vst.msk $0xffff, v1  }
0x42: {  	s14 =	sshrl.u32 s14, $0x2;
	v0 =	vld [tilespmem:s17+$0xFFFFFFC0];
	[tilespmem:s16+$0x420 ss:$0x21] =	vst.msk $0xffff, v5;
	s17 =	sadd.s32 $0x80, s17  }
0x43: {  	s18 =	simm.s32 $0x4;
	s19 =	simm.s32 $0x8;
	s14 =	sor.u32 $0x2000, s14;
	[tilespmem:s16+$0x630 ss:$0x21] =	vst.msk $0xffff, v6;
	v1 =	vld [tilespmem:s17+$0x30]  }
.LBB1_3:
0x44: {  	p1 =	sne.s32 s19, $0x7C;
	v5 =	vld [tilespmem:s17+$0xFFFFFFD0];
	[tilespmem:s16+$0x840 ss:$0x21] =	vst.msk $0xffff, v4  }
0x45: {  	v6 =	vld [tilespmem:s17+$0xFFFFFFE0];
	[tilespmem:s16+$0xA50 ss:$0x21] =	vst.msk $0xffff, v3  }
0x46: {  	s20 =	sshra.s32 s18, $0x2;
	s18 =	smov.u32 s19;
	v7 =	vld [tilespmem:s17+$0xFFFFFFF0];
	[tilespmem:s16+$0xC60 ss:$0x21] =	vst.msk $0xffff, v2  }
.Ltmp3:
0x47: {  	v4 =	vld [tilespmem:s17+$0x0];
	[tilespmem:s16+$0x0 ss:$0x21] =	vst.msk $0xffff, v0;
	s16 =	sadd.s32 s20, s15;
	(pc) =	sbr.rel @p1 .LBB1_3-.Ltmp3, $4  }
0x48: {  	v3 =	vld [tilespmem:s17+$0x10];
	[tilespmem:s16+$0xE70 ss:$0x21] =	vst.msk $0xffff, v1  }
0x49: {  	[tilespmem:s16+$0x210 ss:$0x21] =	vst.msk $0xffff, v5;
	v2 =	vld [tilespmem:s17+$0x20]  }
0x4a: {  	v0 =	vld [tilespmem:s17+$0xFFFFFFC0];
	[tilespmem:s16+$0x420 ss:$0x21] =	vst.msk $0xffff, v6;
	s17 =	sadd.s32 $0x80, s17  }
0x4b: {  	s19 =	sadd.s32 $0x4, s19;
	v1 =	vld [tilespmem:s17+$0x30];
	[tilespmem:s16+$0x630 ss:$0x21] =	vst.msk $0xffff, v7  }
.Ltmp4:
0x4c: {  	_ = 	snop;
	(pc) =	sbr.rel .LBB1_4-.Ltmp4, $1  }
0x4d: {  	_ =	sdelay $0x3  }
.LBB1_6:
0x4e: {  	_ =	sfence.sel $0x180000  }
0x4f: {  	s2 =	simm.s32 $0x1;
	[bflag:$0x0] =	sbarrier.arrive $0xFFFF  }
0x50: {  	s31 =	simm.s32 $0x2;
	[sflag:s2] =	ssyncpa.u1 $0x1  }
0x51: {  	[sflag:s31] =	ssyncpa.u1 $0x1  }
0x52: {  	p0 =	sne.s32 s0, $0x0;
	_ =	strace $0x90000047  }
0x53: {  	s0 =	sadd.s32 @!p0 $0x100000, s1;
	[bflag:$0x2] =	sbarrier.arrive $0xFFFF  }
0x54: {  	[sflag:s0] =	ssyncadd.tile.s32 @!p0 $0x1;
	_ =	shalt  }
.Lfunc_end1:
_tile_overlayer_lowered:
.L_overlay_start_2:
0x55: {  	(tag) =	ssettag $0x2  }
0x56: {  	s0 =	rddreg [dreg:$0x0];
	s2 =	stileid.u32  }
0x57: {  	s1 =	rddreg [dreg:$0x1];
	p0 =	sne.s32 s2, $0x0  }
0x58: {  	s3 =	rddreg [dreg:$0x2];
	[bflag:$0x3] =	sbarrier.arrive $0xFFFF;
	s2 =	simm.s32 @!p0 $0x1C01  }
0x59: {  	[timem:s3], [sflag:s2] =	dma.local @!p0 [hbm:s0], s1  }
0x5a: {  	s0 =	simm.s32 @!p0 $0x1  }
0x5b: {  	_ =	swait.ge @!p0 [sflag:s0], s1  }
0x5c: {  	s1 =	ssub.s32 @!p0 $0x0, s1;
	[sflag:s0] =	ssyncset.done @!p0 $0x0  }
0x5d: {  	[sflag:s0] =	ssyncadd.s32 @!p0 s1  }
0x5e: {  	[bflag:$0x3] =	sbarrier.arrive $0xFFFF  }
0x5f: {  	_ =	shalt  }

</sc_bundles>
